<compile_context>
chip_gen: v7x
topology: tpu7x:2x2x1
jax: 0.10.2.dev20260603
libtpu: 0.0.44.dev20260713+nightly
codegen_flags: <defaults>
</compile_context>

<pallas_src>
import functools

import jax
import jax.numpy as jnp
from jax import lax
from jax.experimental import pallas as pl
from jax.experimental.pallas import tpu as pltpu
from jax.experimental.pallas import tpu_sc as plsc

VOCAB = 100000
DIM = 128

N = 4096
U = 200
B = N * U
NC = 2
NS = 16
NW = NC * NS
ROWS_PER_W = B // NW
CHUNK = 128
CHUNKS_PER_W = ROWS_PER_W // CHUNK
K = 5


def _make_kernel():
    mesh = plsc.VectorSubcoreMesh(
        core_axis_name="c", subcore_axis_name="s",
        num_cores=NC, num_subcores=NS)

    @functools.partial(
        pl.kernel,
        out_type=jax.ShapeDtypeStruct((B, DIM), jnp.float32),
        mesh=mesh,
        scratch_types=[
            pltpu.VMEM((CHUNKS_PER_W, CHUNK), jnp.int32),
            pltpu.VMEM((K, CHUNK, DIM), jnp.float32),
            [pltpu.SemaphoreType.DMA] * K,
            [pltpu.SemaphoreType.DMA] * K,
        ],
    )
    def gather_kernel(table_hbm, idx_hbm, out_hbm, idx_v, rows_v, gsems, ssems):
        wid = lax.axis_index("s") * NC + lax.axis_index("c")
        pltpu.sync_copy(idx_hbm.at[pl.ds(wid * CHUNKS_PER_W, CHUNKS_PER_W)],
                        idx_v)
        base = wid * ROWS_PER_W

        def _wait_store(b):
            pltpu.make_async_copy(
                rows_v.at[b], out_hbm.at[pl.ds(base, CHUNK)], ssems[b]).wait()

        def _wait_gather(b):
            pltpu.make_async_copy(
                table_hbm.at[idx_v.at[0]], rows_v.at[b], gsems[b]).wait()

        def _fire_gather(j, b):
            pltpu.async_copy(table_hbm.at[idx_v.at[j]], rows_v.at[b],
                             gsems[b])

        for j in range(K - 1):
            _fire_gather(j, j)

        @pl.loop(0, CHUNKS_PER_W, step=K)
        def _chunk(g):
            for b in range(K):
                j = g + b

                @pl.when(j >= 1)
                def _():
                    _wait_store((b + K - 1) % K)

                @pl.when(j + K - 1 < CHUNKS_PER_W)
                def _():
                    _fire_gather(j + K - 1, (b + K - 1) % K)

                _wait_gather(b)
                pltpu.async_copy(
                    rows_v.at[b],
                    out_hbm.at[pl.ds(base + j * CHUNK, CHUNK)],
                    ssems[b])

        _wait_store((CHUNKS_PER_W - 1) % K)

    return gather_kernel


_kernel_fn = _make_kernel()


@jax.jit
def kernel(y, table):
    idx = y.astype(jnp.int32).reshape(B // CHUNK, CHUNK)
    out = _kernel_fn(table, idx)
    return out.reshape(N, U, DIM)

# --- scband reference (transcript-rebuilt; emitter-appended) ---
"""Pipeline reference for scband-decoder-88708254532228 (READ-ONLY COPY).

The authoritative reference and input builder live on the scoring server;
editing this copy changes nothing except your own understanding.
"""

import jax, jax.numpy as jnp
import numpy as np

VOCAB_SIZE = 100000
EMBEDDING_DIM = 128
BLANK_ID = 0


def setup_inputs(seed: int = 0) -> dict:
    key = jax.random.key(seed)
    k1, k2 = jax.random.split(key)
    y = jax.random.randint(k1, (4096, 200), 0, VOCAB_SIZE, dtype=jnp.int64)
    # Embedding table; padding_idx row (blank_id) is zeroed, matching nn.Embedding(padding_idx=blank_id)
    table = jax.random.normal(k2, (VOCAB_SIZE, EMBEDDING_DIM), dtype=jnp.float32)
    table = table.at[BLANK_ID].set(0.0)
    return {"y": y, "table": table}


def reference(y, table):
    # Stateless decoder forward: a plain embedding lookup.
    # (N, U) int64 -> (N, U, embedding_dim)
    embedding_out = jnp.take(table, y, axis=0)
    return embedding_out

if __name__ == "__main__":
    import jax
    _d = setup_inputs()
    print(jax.jit(kernel)(*tuple(_d.values())))

</pallas_src>

<mosaic_0001>
#map = affine_map<(d0, d1) -> (0, 0)>
module attributes {stable_mosaic.version = 14 : i64} {
  func.func @gather_kernel(%arg0: i32, %arg1: i32, %arg2: memref<100000x128xf32, #tpu.memory_space<hbm>>, %arg3: memref<6400x128xi32, #tpu.memory_space<hbm>>, %arg4: memref<819200x128xf32, #tpu.memory_space<hbm>>, %arg5: memref<200x128xi32, #tpu.memory_space<vmem>>, %arg6: memref<5x128x128xf32, #tpu.memory_space<vmem>>, %arg7: memref<!tpu.dma_semaphore, #tpu.memory_space<semaphore_mem>>, %arg8: memref<!tpu.dma_semaphore, #tpu.memory_space<semaphore_mem>>, %arg9: memref<!tpu.dma_semaphore, #tpu.memory_space<semaphore_mem>>, %arg10: memref<!tpu.dma_semaphore, #tpu.memory_space<semaphore_mem>>, %arg11: memref<!tpu.dma_semaphore, #tpu.memory_space<semaphore_mem>>, %arg12: memref<!tpu.dma_semaphore, #tpu.memory_space<semaphore_mem>>, %arg13: memref<!tpu.dma_semaphore, #tpu.memory_space<semaphore_mem>>, %arg14: memref<!tpu.dma_semaphore, #tpu.memory_space<semaphore_mem>>, %arg15: memref<!tpu.dma_semaphore, #tpu.memory_space<semaphore_mem>>, %arg16: memref<!tpu.dma_semaphore, #tpu.memory_space<semaphore_mem>>) attributes {dimension_semantics = [#tpu.dimension_semantics<core_parallel>, #tpu.dimension_semantics<subcore_parallel>], iteration_bounds = array<i64: 2, 16>, scalar_prefetch = 0 : i64, scratch_operands = 12 : i64, tpu.core_type = #tpu.core_type<sc_vector_subcore>, window_params = [{transform_indices = #map}, {transform_indices = #map}, {transform_indices = #map}]} {
    %mul3A = arith.constant 2 : i32
    %mul3A_0 = arith.muli %arg1, %mul3A : i32
    %add3A = arith.addi %mul3A_0, %arg0 : i32
    %mul3A_1 = arith.constant 200 : i32
    %mul3A_2 = arith.muli %add3A, %mul3A_1 : i32
    "tpu.region"() ({
      %run_scoped3A = tpu.sem_alloc : memref<!tpu.dma_semaphore, #tpu.memory_space<semaphore_mem>>
      %dma_start3A_68 = arith.constant 0 : i32
      %dma_start3A_69 = tpu.memref_slice %arg3[%mul3A_2, %dma_start3A_68] : memref<6400x128xi32, #tpu.memory_space<hbm>> -> memref<200x128xi32, #tpu.memory_space<hbm>>
      %dma_start3A_70 = arith.constant 0 : i32
      %dma_start3A_71 = tpu.memref_slice %arg3[%mul3A_2, %dma_start3A_70] : memref<6400x128xi32, #tpu.memory_space<hbm>> -> memref<200x128xi32, #tpu.memory_space<hbm>>
      tpu.enqueue_dma source(%dma_start3A_71 : memref<200x128xi32, #tpu.memory_space<hbm>>) target(%arg5 : memref<200x128xi32, #tpu.memory_space<vmem>>) target_semaphore(%run_scoped3A : memref<!tpu.dma_semaphore, #tpu.memory_space<semaphore_mem>>)
      %dma_wait3A_72 = arith.constant 0 : i32
      %dma_wait3A_73 = tpu.memref_slice %arg3[%mul3A_2, %dma_wait3A_72] : memref<6400x128xi32, #tpu.memory_space<hbm>> -> memref<200x128xi32, #tpu.memory_space<hbm>>
      %dma_wait3A_74 = arith.constant 0 : i32
      %dma_wait3A_75 = tpu.memref_slice %arg3[%mul3A_2, %dma_wait3A_74] : memref<6400x128xi32, #tpu.memory_space<hbm>> -> memref<200x128xi32, #tpu.memory_space<hbm>>
      tpu.wait_dma2 semaphore(%run_scoped3A : memref<!tpu.dma_semaphore, #tpu.memory_space<semaphore_mem>>) src(%dma_wait3A_75 : memref<200x128xi32, #tpu.memory_space<hbm>>) dst(%arg5 : memref<200x128xi32, #tpu.memory_space<vmem>>)
      tpu.yield
    }) : () -> ()
    %mul3A_3 = arith.constant 25600 : i32
    %mul3A_4 = arith.muli %add3A, %mul3A_3 : i32
    %dma_start3A = arith.constant 0 : i32
    %dma_start3A_5 = arith.constant 0 : i32
    %dma_start3A_6 = arith.constant 0 : i32
    %dma_start3A_7 = arith.constant 0 : i32
    %dma_start3A_8 = tpu.memref_slice %arg6[%dma_start3A_5, %dma_start3A_6, %dma_start3A_7] : memref<5x128x128xf32, #tpu.memory_space<vmem>> -> memref<1x128x128xf32, #tpu.memory_space<vmem>>
    %dma_start3A_9 = tpu.memref_squeeze %dma_start3A_8 : memref<1x128x128xf32, #tpu.memory_space<vmem>> -> memref<128x128xf32, #tpu.memory_space<vmem>>
    %dma_start3A_10 = arith.constant 0 : i32
    %dma_start3A_11 = tpu.memref_slice %arg5[%dma_start3A, %dma_start3A_10] : memref<200x128xi32, #tpu.memory_space<vmem>> -> memref<1x128xi32, #tpu.memory_space<vmem>>
    %dma_start3A_12 = tpu.memref_squeeze %dma_start3A_11 : memref<1x128xi32, #tpu.memory_space<vmem>> -> memref<128xi32, #tpu.memory_space<vmem>>
    %dma_start3A_13 = arith.constant 0 : i32
    %dma_start3A_14 = arith.constant 0 : i32
    %dma_start3A_15 = tpu.memref_slice %arg2[%dma_start3A_13, %dma_start3A_14] : memref<100000x128xf32, #tpu.memory_space<hbm>> -> memref<100000x128xf32, #tpu.memory_space<hbm>>
    tpu.enqueue_indirect_dma source(%dma_start3A_15 : memref<100000x128xf32, #tpu.memory_space<hbm>>) target(%dma_start3A_9 : memref<128x128xf32, #tpu.memory_space<vmem>>) offsets(%dma_start3A_12 : memref<128xi32, #tpu.memory_space<vmem>>) semaphore(%arg7 : memref<!tpu.dma_semaphore, #tpu.memory_space<semaphore_mem>>)
    %dma_start3A_16 = arith.constant 1 : i32
    %dma_start3A_17 = arith.constant 1 : i32
    %dma_start3A_18 = arith.constant 0 : i32
    %dma_start3A_19 = arith.constant 0 : i32
    %dma_start3A_20 = tpu.memref_slice %arg6[%dma_start3A_17, %dma_start3A_18, %dma_start3A_19] : memref<5x128x128xf32, #tpu.memory_space<vmem>> -> memref<1x128x128xf32, #tpu.memory_space<vmem>>
    %dma_start3A_21 = tpu.memref_squeeze %dma_start3A_20 : memref<1x128x128xf32, #tpu.memory_space<vmem>> -> memref<128x128xf32, #tpu.memory_space<vmem>>
    %dma_start3A_22 = arith.constant 0 : i32
    %dma_start3A_23 = tpu.memref_slice %arg5[%dma_start3A_16, %dma_start3A_22] : memref<200x128xi32, #tpu.memory_space<vmem>> -> memref<1x128xi32, #tpu.memory_space<vmem>>
    %dma_start3A_24 = tpu.memref_squeeze %dma_start3A_23 : memref<1x128xi32, #tpu.memory_space<vmem>> -> memref<128xi32, #tpu.memory_space<vmem>>
    %dma_start3A_25 = arith.constant 0 : i32
    %dma_start3A_26 = arith.constant 0 : i32
    %dma_start3A_27 = tpu.memref_slice %arg2[%dma_start3A_25, %dma_start3A_26] : memref<100000x128xf32, #tpu.memory_space<hbm>> -> memref<100000x128xf32, #tpu.memory_space<hbm>>
    tpu.enqueue_indirect_dma source(%dma_start3A_27 : memref<100000x128xf32, #tpu.memory_space<hbm>>) target(%dma_start3A_21 : memref<128x128xf32, #tpu.memory_space<vmem>>) offsets(%dma_start3A_24 : memref<128xi32, #tpu.memory_space<vmem>>) semaphore(%arg8 : memref<!tpu.dma_semaphore, #tpu.memory_space<semaphore_mem>>)
    %dma_start3A_28 = arith.constant 2 : i32
    %dma_start3A_29 = arith.constant 2 : i32
    %dma_start3A_30 = arith.constant 0 : i32
    %dma_start3A_31 = arith.constant 0 : i32
    %dma_start3A_32 = tpu.memref_slice %arg6[%dma_start3A_29, %dma_start3A_30, %dma_start3A_31] : memref<5x128x128xf32, #tpu.memory_space<vmem>> -> memref<1x128x128xf32, #tpu.memory_space<vmem>>
    %dma_start3A_33 = tpu.memref_squeeze %dma_start3A_32 : memref<1x128x128xf32, #tpu.memory_space<vmem>> -> memref<128x128xf32, #tpu.memory_space<vmem>>
    %dma_start3A_34 = arith.constant 0 : i32
    %dma_start3A_35 = tpu.memref_slice %arg5[%dma_start3A_28, %dma_start3A_34] : memref<200x128xi32, #tpu.memory_space<vmem>> -> memref<1x128xi32, #tpu.memory_space<vmem>>
    %dma_start3A_36 = tpu.memref_squeeze %dma_start3A_35 : memref<1x128xi32, #tpu.memory_space<vmem>> -> memref<128xi32, #tpu.memory_space<vmem>>
    %dma_start3A_37 = arith.constant 0 : i32
    %dma_start3A_38 = arith.constant 0 : i32
    %dma_start3A_39 = tpu.memref_slice %arg2[%dma_start3A_37, %dma_start3A_38] : memref<100000x128xf32, #tpu.memory_space<hbm>> -> memref<100000x128xf32, #tpu.memory_space<hbm>>
    tpu.enqueue_indirect_dma source(%dma_start3A_39 : memref<100000x128xf32, #tpu.memory_space<hbm>>) target(%dma_start3A_33 : memref<128x128xf32, #tpu.memory_space<vmem>>) offsets(%dma_start3A_36 : memref<128xi32, #tpu.memory_space<vmem>>) semaphore(%arg9 : memref<!tpu.dma_semaphore, #tpu.memory_space<semaphore_mem>>)
    %dma_start3A_40 = arith.constant 3 : i32
    %dma_start3A_41 = arith.constant 3 : i32
    %dma_start3A_42 = arith.constant 0 : i32
    %dma_start3A_43 = arith.constant 0 : i32
    %dma_start3A_44 = tpu.memref_slice %arg6[%dma_start3A_41, %dma_start3A_42, %dma_start3A_43] : memref<5x128x128xf32, #tpu.memory_space<vmem>> -> memref<1x128x128xf32, #tpu.memory_space<vmem>>
    %dma_start3A_45 = tpu.memref_squeeze %dma_start3A_44 : memref<1x128x128xf32, #tpu.memory_space<vmem>> -> memref<128x128xf32, #tpu.memory_space<vmem>>
    %dma_start3A_46 = arith.constant 0 : i32
    %dma_start3A_47 = tpu.memref_slice %arg5[%dma_start3A_40, %dma_start3A_46] : memref<200x128xi32, #tpu.memory_space<vmem>> -> memref<1x128xi32, #tpu.memory_space<vmem>>
    %dma_start3A_48 = tpu.memref_squeeze %dma_start3A_47 : memref<1x128xi32, #tpu.memory_space<vmem>> -> memref<128xi32, #tpu.memory_space<vmem>>
    %dma_start3A_49 = arith.constant 0 : i32
    %dma_start3A_50 = arith.constant 0 : i32
    %dma_start3A_51 = tpu.memref_slice %arg2[%dma_start3A_49, %dma_start3A_50] : memref<100000x128xf32, #tpu.memory_space<hbm>> -> memref<100000x128xf32, #tpu.memory_space<hbm>>
    tpu.enqueue_indirect_dma source(%dma_start3A_51 : memref<100000x128xf32, #tpu.memory_space<hbm>>) target(%dma_start3A_45 : memref<128x128xf32, #tpu.memory_space<vmem>>) offsets(%dma_start3A_48 : memref<128xi32, #tpu.memory_space<vmem>>) semaphore(%arg10 : memref<!tpu.dma_semaphore, #tpu.memory_space<semaphore_mem>>)
    %scan3A = arith.constant 0 : i32
    %scan3A_52 = arith.constant 40 : i32
    %scan3A_53 = arith.addi %scan3A, %scan3A_52 : i32
    %scan3A_54 = arith.constant 1 : i32
    scf.for %scan3A_68 = %scan3A to %scan3A_53 step %scan3A_54  : i32 {
      %mul3A_69 = arith.constant 5 : i32
      %mul3A_70 = arith.muli %scan3A_68, %mul3A_69 : i32
      %add3A_71 = arith.constant 0 : i32
      %add3A_72 = arith.addi %add3A_71, %mul3A_70 : i32
      %add3A_73 = arith.constant 0 : i32
      %add3A_74 = arith.addi %add3A_72, %add3A_73 : i32
      %ge3A = arith.constant 1 : i32
      %ge3A_75 = arith.cmpi sge, %add3A_74, %ge3A : i32
      %convert_element_type3A = arith.extui %ge3A_75 : i1 to i32
      %cond3A = arith.constant 0 : i32
      %cond3A_76 = arith.cmpi ne, %convert_element_type3A, %cond3A : i32
      scf.if %cond3A_76 {
        %dma_wait3A_288 = arith.constant 4 : i32
        %dma_wait3A_289 = arith.constant 0 : i32
        %dma_wait3A_290 = arith.constant 0 : i32
        %dma_wait3A_291 = tpu.memref_slice %arg6[%dma_wait3A_288, %dma_wait3A_289, %dma_wait3A_290] : memref<5x128x128xf32, #tpu.memory_space<vmem>> -> memref<1x128x128xf32, #tpu.memory_space<vmem>>
        %dma_wait3A_292 = tpu.memref_squeeze %dma_wait3A_291 : memref<1x128x128xf32, #tpu.memory_space<vmem>> -> memref<128x128xf32, #tpu.memory_space<vmem>>
        %dma_wait3A_293 = arith.constant 0 : i32
        %dma_wait3A_294 = tpu.memref_slice %arg4[%mul3A_4, %dma_wait3A_293] : memref<819200x128xf32, #tpu.memory_space<hbm>> -> memref<128x128xf32, #tpu.memory_space<hbm>>
        %dma_wait3A_295 = arith.constant 0 : i32
        %dma_wait3A_296 = tpu.memref_slice %arg4[%mul3A_4, %dma_wait3A_295] : memref<819200x128xf32, #tpu.memory_space<hbm>> -> memref<128x128xf32, #tpu.memory_space<hbm>>
        %dma_wait3A_297 = arith.constant 0 : i32
        %dma_wait3A_298 = arith.constant 0 : i32
        %dma_wait3A_299 = tpu.memref_slice %arg6[%dma_wait3A_288, %dma_wait3A_297, %dma_wait3A_298] : memref<5x128x128xf32, #tpu.memory_space<vmem>> -> memref<1x128x128xf32, #tpu.memory_space<vmem>>
        %dma_wait3A_300 = tpu.memref_squeeze %dma_wait3A_299 : memref<1x128x128xf32, #tpu.memory_space<vmem>> -> memref<128x128xf32, #tpu.memory_space<vmem>>
        tpu.wait_dma2 semaphore(%arg16 : memref<!tpu.dma_semaphore, #tpu.memory_space<semaphore_mem>>) src(%dma_wait3A_300 : memref<128x128xf32, #tpu.memory_space<vmem>>) dst(%dma_wait3A_296 : memref<128x128xf32, #tpu.memory_space<hbm>>)
      } else {
      }
      %add3A_77 = arith.constant 5 : i32
      %add3A_78 = arith.addi %add3A_74, %add3A_77 : i32
      %sub3A = arith.constant 1 : i32
      %sub3A_79 = arith.subi %add3A_78, %sub3A : i32
      %lt3A = arith.constant 200 : i32
      %lt3A_80 = arith.cmpi slt, %sub3A_79, %lt3A : i32
      %convert_element_type3A_81 = arith.extui %lt3A_80 : i1 to i32
      %cond3A_82 = arith.constant 0 : i32
      %cond3A_83 = arith.cmpi ne, %convert_element_type3A_81, %cond3A_82 : i32
      scf.if %cond3A_83 {
        %add3A_288 = arith.constant 5 : i32
        %add3A_289 = arith.addi %add3A_74, %add3A_288 : i32
        %sub3A_290 = arith.constant 1 : i32
        %sub3A_291 = arith.subi %add3A_289, %sub3A_290 : i32
        %dma_start3A_292 = arith.constant 4 : i32
        %dma_start3A_293 = arith.constant 0 : i32
        %dma_start3A_294 = arith.constant 0 : i32
        %dma_start3A_295 = tpu.memref_slice %arg6[%dma_start3A_292, %dma_start3A_293, %dma_start3A_294] : memref<5x128x128xf32, #tpu.memory_space<vmem>> -> memref<1x128x128xf32, #tpu.memory_space<vmem>>
        %dma_start3A_296 = tpu.memref_squeeze %dma_start3A_295 : memref<1x128x128xf32, #tpu.memory_space<vmem>> -> memref<128x128xf32, #tpu.memory_space<vmem>>
        %dma_start3A_297 = arith.constant 0 : i32
        %dma_start3A_298 = tpu.memref_slice %arg5[%sub3A_291, %dma_start3A_297] : memref<200x128xi32, #tpu.memory_space<vmem>> -> memref<1x128xi32, #tpu.memory_space<vmem>>
        %dma_start3A_299 = tpu.memref_squeeze %dma_start3A_298 : memref<1x128xi32, #tpu.memory_space<vmem>> -> memref<128xi32, #tpu.memory_space<vmem>>
        %dma_start3A_300 = arith.constant 0 : i32
        %dma_start3A_301 = arith.constant 0 : i32
        %dma_start3A_302 = tpu.memref_slice %arg2[%dma_start3A_300, %dma_start3A_301] : memref<100000x128xf32, #tpu.memory_space<hbm>> -> memref<100000x128xf32, #tpu.memory_space<hbm>>
        tpu.enqueue_indirect_dma source(%dma_start3A_302 : memref<100000x128xf32, #tpu.memory_space<hbm>>) target(%dma_start3A_296 : memref<128x128xf32, #tpu.memory_space<vmem>>) offsets(%dma_start3A_299 : memref<128xi32, #tpu.memory_space<vmem>>) semaphore(%arg11 : memref<!tpu.dma_semaphore, #tpu.memory_space<semaphore_mem>>)
      } else {
      }
      %dma_wait3A_84 = arith.constant 0 : i32
      %dma_wait3A_85 = arith.constant 0 : i32
      %dma_wait3A_86 = arith.constant 0 : i32
      %dma_wait3A_87 = arith.constant 0 : i32
      %dma_wait3A_88 = tpu.memref_slice %arg6[%dma_wait3A_85, %dma_wait3A_86, %dma_wait3A_87] : memref<5x128x128xf32, #tpu.memory_space<vmem>> -> memref<1x128x128xf32, #tpu.memory_space<vmem>>
      %dma_wait3A_89 = tpu.memref_squeeze %dma_wait3A_88 : memref<1x128x128xf32, #tpu.memory_space<vmem>> -> memref<128x128xf32, #tpu.memory_space<vmem>>
      %dma_wait3A_90 = arith.constant 0 : i32
      %dma_wait3A_91 = tpu.memref_slice %arg5[%dma_wait3A_84, %dma_wait3A_90] : memref<200x128xi32, #tpu.memory_space<vmem>> -> memref<1x128xi32, #tpu.memory_space<vmem>>
      %dma_wait3A_92 = tpu.memref_squeeze %dma_wait3A_91 : memref<1x128xi32, #tpu.memory_space<vmem>> -> memref<128xi32, #tpu.memory_space<vmem>>
      %dma_wait3A_93 = arith.constant 0 : i32
      %dma_wait3A_94 = arith.constant 0 : i32
      %dma_wait3A_95 = tpu.memref_slice %arg2[%dma_wait3A_93, %dma_wait3A_94] : memref<100000x128xf32, #tpu.memory_space<hbm>> -> memref<100000x128xf32, #tpu.memory_space<hbm>>
      tpu.wait_indirect_dma semaphore(%arg7 : memref<!tpu.dma_semaphore, #tpu.memory_space<semaphore_mem>>) src(%dma_wait3A_95 : memref<100000x128xf32, #tpu.memory_space<hbm>>) dst(%dma_wait3A_89 : memref<128x128xf32, #tpu.memory_space<vmem>>)
      %mul3A_96 = arith.constant 128 : i32
      %mul3A_97 = arith.muli %add3A_74, %mul3A_96 : i32
      %add3A_98 = arith.addi %mul3A_4, %mul3A_97 : i32
      %dma_start3A_99 = arith.constant 0 : i32
      %dma_start3A_100 = arith.constant 0 : i32
      %dma_start3A_101 = arith.constant 0 : i32
      %dma_start3A_102 = tpu.memref_slice %arg6[%dma_start3A_99, %dma_start3A_100, %dma_start3A_101] : memref<5x128x128xf32, #tpu.memory_space<vmem>> -> memref<1x128x128xf32, #tpu.memory_space<vmem>>
      %dma_start3A_103 = tpu.memref_squeeze %dma_start3A_102 : memref<1x128x128xf32, #tpu.memory_space<vmem>> -> memref<128x128xf32, #tpu.memory_space<vmem>>
      %dma_start3A_104 = arith.constant 0 : i32
      %dma_start3A_105 = tpu.memref_slice %arg4[%add3A_98, %dma_start3A_104] : memref<819200x128xf32, #tpu.memory_space<hbm>> -> memref<128x128xf32, #tpu.memory_space<hbm>>
      %dma_start3A_106 = arith.constant 0 : i32
      %dma_start3A_107 = tpu.memref_slice %arg4[%add3A_98, %dma_start3A_106] : memref<819200x128xf32, #tpu.memory_space<hbm>> -> memref<128x128xf32, #tpu.memory_space<hbm>>
      %dma_start3A_108 = arith.constant 0 : i32
      %dma_start3A_109 = arith.constant 0 : i32
      %dma_start3A_110 = tpu.memref_slice %arg6[%dma_start3A_99, %dma_start3A_108, %dma_start3A_109] : memref<5x128x128xf32, #tpu.memory_space<vmem>> -> memref<1x128x128xf32, #tpu.memory_space<vmem>>
      %dma_start3A_111 = tpu.memref_squeeze %dma_start3A_110 : memref<1x128x128xf32, #tpu.memory_space<vmem>> -> memref<128x128xf32, #tpu.memory_space<vmem>>
      tpu.enqueue_dma source(%dma_start3A_111 : memref<128x128xf32, #tpu.memory_space<vmem>>) target(%dma_start3A_107 : memref<128x128xf32, #tpu.memory_space<hbm>>) target_semaphore(%arg12 : memref<!tpu.dma_semaphore, #tpu.memory_space<semaphore_mem>>)
      %add3A_112 = arith.constant 1 : i32
      %add3A_113 = arith.addi %add3A_72, %add3A_112 : i32
      %ge3A_114 = arith.constant 1 : i32
      %ge3A_115 = arith.cmpi sge, %add3A_113, %ge3A_114 : i32
      %convert_element_type3A_116 = arith.extui %ge3A_115 : i1 to i32
      %cond3A_117 = arith.constant 0 : i32
      %cond3A_118 = arith.cmpi ne, %convert_element_type3A_116, %cond3A_117 : i32
      scf.if %cond3A_118 {
        %dma_wait3A_288 = arith.constant 0 : i32
        %dma_wait3A_289 = arith.constant 0 : i32
        %dma_wait3A_290 = arith.constant 0 : i32
        %dma_wait3A_291 = tpu.memref_slice %arg6[%dma_wait3A_288, %dma_wait3A_289, %dma_wait3A_290] : memref<5x128x128xf32, #tpu.memory_space<vmem>> -> memref<1x128x128xf32, #tpu.memory_space<vmem>>
        %dma_wait3A_292 = tpu.memref_squeeze %dma_wait3A_291 : memref<1x128x128xf32, #tpu.memory_space<vmem>> -> memref<128x128xf32, #tpu.memory_space<vmem>>
        %dma_wait3A_293 = arith.constant 0 : i32
        %dma_wait3A_294 = tpu.memref_slice %arg4[%mul3A_4, %dma_wait3A_293] : memref<819200x128xf32, #tpu.memory_space<hbm>> -> memref<128x128xf32, #tpu.memory_space<hbm>>
        %dma_wait3A_295 = arith.constant 0 : i32
        %dma_wait3A_296 = tpu.memref_slice %arg4[%mul3A_4, %dma_wait3A_295] : memref<819200x128xf32, #tpu.memory_space<hbm>> -> memref<128x128xf32, #tpu.memory_space<hbm>>
        %dma_wait3A_297 = arith.constant 0 : i32
        %dma_wait3A_298 = arith.constant 0 : i32
        %dma_wait3A_299 = tpu.memref_slice %arg6[%dma_wait3A_288, %dma_wait3A_297, %dma_wait3A_298] : memref<5x128x128xf32, #tpu.memory_space<vmem>> -> memref<1x128x128xf32, #tpu.memory_space<vmem>>
        %dma_wait3A_300 = tpu.memref_squeeze %dma_wait3A_299 : memref<1x128x128xf32, #tpu.memory_space<vmem>> -> memref<128x128xf32, #tpu.memory_space<vmem>>
        tpu.wait_dma2 semaphore(%arg12 : memref<!tpu.dma_semaphore, #tpu.memory_space<semaphore_mem>>) src(%dma_wait3A_300 : memref<128x128xf32, #tpu.memory_space<vmem>>) dst(%dma_wait3A_296 : memref<128x128xf32, #tpu.memory_space<hbm>>)
      } else {
      }
      %add3A_119 = arith.constant 5 : i32
      %add3A_120 = arith.addi %add3A_113, %add3A_119 : i32
      %sub3A_121 = arith.constant 1 : i32
      %sub3A_122 = arith.subi %add3A_120, %sub3A_121 : i32
      %lt3A_123 = arith.constant 200 : i32
      %lt3A_124 = arith.cmpi slt, %sub3A_122, %lt3A_123 : i32
      %convert_element_type3A_125 = arith.extui %lt3A_124 : i1 to i32
      %cond3A_126 = arith.constant 0 : i32
      %cond3A_127 = arith.cmpi ne, %convert_element_type3A_125, %cond3A_126 : i32
      scf.if %cond3A_127 {
        %add3A_288 = arith.constant 5 : i32
        %add3A_289 = arith.addi %add3A_113, %add3A_288 : i32
        %sub3A_290 = arith.constant 1 : i32
        %sub3A_291 = arith.subi %add3A_289, %sub3A_290 : i32
        %dma_start3A_292 = arith.constant 0 : i32
        %dma_start3A_293 = arith.constant 0 : i32
        %dma_start3A_294 = arith.constant 0 : i32
        %dma_start3A_295 = tpu.memref_slice %arg6[%dma_start3A_292, %dma_start3A_293, %dma_start3A_294] : memref<5x128x128xf32, #tpu.memory_space<vmem>> -> memref<1x128x128xf32, #tpu.memory_space<vmem>>
        %dma_start3A_296 = tpu.memref_squeeze %dma_start3A_295 : memref<1x128x128xf32, #tpu.memory_space<vmem>> -> memref<128x128xf32, #tpu.memory_space<vmem>>
        %dma_start3A_297 = arith.constant 0 : i32
        %dma_start3A_298 = tpu.memref_slice %arg5[%sub3A_291, %dma_start3A_297] : memref<200x128xi32, #tpu.memory_space<vmem>> -> memref<1x128xi32, #tpu.memory_space<vmem>>
        %dma_start3A_299 = tpu.memref_squeeze %dma_start3A_298 : memref<1x128xi32, #tpu.memory_space<vmem>> -> memref<128xi32, #tpu.memory_space<vmem>>
        %dma_start3A_300 = arith.constant 0 : i32
        %dma_start3A_301 = arith.constant 0 : i32
        %dma_start3A_302 = tpu.memref_slice %arg2[%dma_start3A_300, %dma_start3A_301] : memref<100000x128xf32, #tpu.memory_space<hbm>> -> memref<100000x128xf32, #tpu.memory_space<hbm>>
        tpu.enqueue_indirect_dma source(%dma_start3A_302 : memref<100000x128xf32, #tpu.memory_space<hbm>>) target(%dma_start3A_296 : memref<128x128xf32, #tpu.memory_space<vmem>>) offsets(%dma_start3A_299 : memref<128xi32, #tpu.memory_space<vmem>>) semaphore(%arg7 : memref<!tpu.dma_semaphore, #tpu.memory_space<semaphore_mem>>)
      } else {
      }
      %dma_wait3A_128 = arith.constant 0 : i32
      %dma_wait3A_129 = arith.constant 1 : i32
      %dma_wait3A_130 = arith.constant 0 : i32
      %dma_wait3A_131 = arith.constant 0 : i32
      %dma_wait3A_132 = tpu.memref_slice %arg6[%dma_wait3A_129, %dma_wait3A_130, %dma_wait3A_131] : memref<5x128x128xf32, #tpu.memory_space<vmem>> -> memref<1x128x128xf32, #tpu.memory_space<vmem>>
      %dma_wait3A_133 = tpu.memref_squeeze %dma_wait3A_132 : memref<1x128x128xf32, #tpu.memory_space<vmem>> -> memref<128x128xf32, #tpu.memory_space<vmem>>
      %dma_wait3A_134 = arith.constant 0 : i32
      %dma_wait3A_135 = tpu.memref_slice %arg5[%dma_wait3A_128, %dma_wait3A_134] : memref<200x128xi32, #tpu.memory_space<vmem>> -> memref<1x128xi32, #tpu.memory_space<vmem>>
      %dma_wait3A_136 = tpu.memref_squeeze %dma_wait3A_135 : memref<1x128xi32, #tpu.memory_space<vmem>> -> memref<128xi32, #tpu.memory_space<vmem>>
      %dma_wait3A_137 = arith.constant 0 : i32
      %dma_wait3A_138 = arith.constant 0 : i32
      %dma_wait3A_139 = tpu.memref_slice %arg2[%dma_wait3A_137, %dma_wait3A_138] : memref<100000x128xf32, #tpu.memory_space<hbm>> -> memref<100000x128xf32, #tpu.memory_space<hbm>>
      tpu.wait_indirect_dma semaphore(%arg8 : memref<!tpu.dma_semaphore, #tpu.memory_space<semaphore_mem>>) src(%dma_wait3A_139 : memref<100000x128xf32, #tpu.memory_space<hbm>>) dst(%dma_wait3A_133 : memref<128x128xf32, #tpu.memory_space<vmem>>)
      %mul3A_140 = arith.constant 128 : i32
      %mul3A_141 = arith.muli %add3A_113, %mul3A_140 : i32
      %add3A_142 = arith.addi %mul3A_4, %mul3A_141 : i32
      %dma_start3A_143 = arith.constant 1 : i32
      %dma_start3A_144 = arith.constant 0 : i32
      %dma_start3A_145 = arith.constant 0 : i32
      %dma_start3A_146 = tpu.memref_slice %arg6[%dma_start3A_143, %dma_start3A_144, %dma_start3A_145] : memref<5x128x128xf32, #tpu.memory_space<vmem>> -> memref<1x128x128xf32, #tpu.memory_space<vmem>>
      %dma_start3A_147 = tpu.memref_squeeze %dma_start3A_146 : memref<1x128x128xf32, #tpu.memory_space<vmem>> -> memref<128x128xf32, #tpu.memory_space<vmem>>
      %dma_start3A_148 = arith.constant 0 : i32
      %dma_start3A_149 = tpu.memref_slice %arg4[%add3A_142, %dma_start3A_148] : memref<819200x128xf32, #tpu.memory_space<hbm>> -> memref<128x128xf32, #tpu.memory_space<hbm>>
      %dma_start3A_150 = arith.constant 0 : i32
      %dma_start3A_151 = tpu.memref_slice %arg4[%add3A_142, %dma_start3A_150] : memref<819200x128xf32, #tpu.memory_space<hbm>> -> memref<128x128xf32, #tpu.memory_space<hbm>>
      %dma_start3A_152 = arith.constant 0 : i32
      %dma_start3A_153 = arith.constant 0 : i32
      %dma_start3A_154 = tpu.memref_slice %arg6[%dma_start3A_143, %dma_start3A_152, %dma_start3A_153] : memref<5x128x128xf32, #tpu.memory_space<vmem>> -> memref<1x128x128xf32, #tpu.memory_space<vmem>>
      %dma_start3A_155 = tpu.memref_squeeze %dma_start3A_154 : memref<1x128x128xf32, #tpu.memory_space<vmem>> -> memref<128x128xf32, #tpu.memory_space<vmem>>
      tpu.enqueue_dma source(%dma_start3A_155 : memref<128x128xf32, #tpu.memory_space<vmem>>) target(%dma_start3A_151 : memref<128x128xf32, #tpu.memory_space<hbm>>) target_semaphore(%arg13 : memref<!tpu.dma_semaphore, #tpu.memory_space<semaphore_mem>>)
      %add3A_156 = arith.constant 2 : i32
      %add3A_157 = arith.addi %add3A_72, %add3A_156 : i32
      %ge3A_158 = arith.constant 1 : i32
      %ge3A_159 = arith.cmpi sge, %add3A_157, %ge3A_158 : i32
      %convert_element_type3A_160 = arith.extui %ge3A_159 : i1 to i32
      %cond3A_161 = arith.constant 0 : i32
      %cond3A_162 = arith.cmpi ne, %convert_element_type3A_160, %cond3A_161 : i32
      scf.if %cond3A_162 {
        %dma_wait3A_288 = arith.constant 1 : i32
        %dma_wait3A_289 = arith.constant 0 : i32
        %dma_wait3A_290 = arith.constant 0 : i32
        %dma_wait3A_291 = tpu.memref_slice %arg6[%dma_wait3A_288, %dma_wait3A_289, %dma_wait3A_290] : memref<5x128x128xf32, #tpu.memory_space<vmem>> -> memref<1x128x128xf32, #tpu.memory_space<vmem>>
        %dma_wait3A_292 = tpu.memref_squeeze %dma_wait3A_291 : memref<1x128x128xf32, #tpu.memory_space<vmem>> -> memref<128x128xf32, #tpu.memory_space<vmem>>
        %dma_wait3A_293 = arith.constant 0 : i32
        %dma_wait3A_294 = tpu.memref_slice %arg4[%mul3A_4, %dma_wait3A_293] : memref<819200x128xf32, #tpu.memory_space<hbm>> -> memref<128x128xf32, #tpu.memory_space<hbm>>
        %dma_wait3A_295 = arith.constant 0 : i32
        %dma_wait3A_296 = tpu.memref_slice %arg4[%mul3A_4, %dma_wait3A_295] : memref<819200x128xf32, #tpu.memory_space<hbm>> -> memref<128x128xf32, #tpu.memory_space<hbm>>
        %dma_wait3A_297 = arith.constant 0 : i32
        %dma_wait3A_298 = arith.constant 0 : i32
        %dma_wait3A_299 = tpu.memref_slice %arg6[%dma_wait3A_288, %dma_wait3A_297, %dma_wait3A_298] : memref<5x128x128xf32, #tpu.memory_space<vmem>> -> memref<1x128x128xf32, #tpu.memory_space<vmem>>
        %dma_wait3A_300 = tpu.memref_squeeze %dma_wait3A_299 : memref<1x128x128xf32, #tpu.memory_space<vmem>> -> memref<128x128xf32, #tpu.memory_space<vmem>>
        tpu.wait_dma2 semaphore(%arg13 : memref<!tpu.dma_semaphore, #tpu.memory_space<semaphore_mem>>) src(%dma_wait3A_300 : memref<128x128xf32, #tpu.memory_space<vmem>>) dst(%dma_wait3A_296 : memref<128x128xf32, #tpu.memory_space<hbm>>)
      } else {
      }
      %add3A_163 = arith.constant 5 : i32
      %add3A_164 = arith.addi %add3A_157, %add3A_163 : i32
      %sub3A_165 = arith.constant 1 : i32
      %sub3A_166 = arith.subi %add3A_164, %sub3A_165 : i32
      %lt3A_167 = arith.constant 200 : i32
      %lt3A_168 = arith.cmpi slt, %sub3A_166, %lt3A_167 : i32
      %convert_element_type3A_169 = arith.extui %lt3A_168 : i1 to i32
      %cond3A_170 = arith.constant 0 : i32
      %cond3A_171 = arith.cmpi ne, %convert_element_type3A_169, %cond3A_170 : i32
      scf.if %cond3A_171 {
        %add3A_288 = arith.constant 5 : i32
        %add3A_289 = arith.addi %add3A_157, %add3A_288 : i32
        %sub3A_290 = arith.constant 1 : i32
        %sub3A_291 = arith.subi %add3A_289, %sub3A_290 : i32
        %dma_start3A_292 = arith.constant 1 : i32
        %dma_start3A_293 = arith.constant 0 : i32
        %dma_start3A_294 = arith.constant 0 : i32
        %dma_start3A_295 = tpu.memref_slice %arg6[%dma_start3A_292, %dma_start3A_293, %dma_start3A_294] : memref<5x128x128xf32, #tpu.memory_space<vmem>> -> memref<1x128x128xf32, #tpu.memory_space<vmem>>
        %dma_start3A_296 = tpu.memref_squeeze %dma_start3A_295 : memref<1x128x128xf32, #tpu.memory_space<vmem>> -> memref<128x128xf32, #tpu.memory_space<vmem>>
        %dma_start3A_297 = arith.constant 0 : i32
        %dma_start3A_298 = tpu.memref_slice %arg5[%sub3A_291, %dma_start3A_297] : memref<200x128xi32, #tpu.memory_space<vmem>> -> memref<1x128xi32, #tpu.memory_space<vmem>>
        %dma_start3A_299 = tpu.memref_squeeze %dma_start3A_298 : memref<1x128xi32, #tpu.memory_space<vmem>> -> memref<128xi32, #tpu.memory_space<vmem>>
        %dma_start3A_300 = arith.constant 0 : i32
        %dma_start3A_301 = arith.constant 0 : i32
        %dma_start3A_302 = tpu.memref_slice %arg2[%dma_start3A_300, %dma_start3A_301] : memref<100000x128xf32, #tpu.memory_space<hbm>> -> memref<100000x128xf32, #tpu.memory_space<hbm>>
        tpu.enqueue_indirect_dma source(%dma_start3A_302 : memref<100000x128xf32, #tpu.memory_space<hbm>>) target(%dma_start3A_296 : memref<128x128xf32, #tpu.memory_space<vmem>>) offsets(%dma_start3A_299 : memref<128xi32, #tpu.memory_space<vmem>>) semaphore(%arg8 : memref<!tpu.dma_semaphore, #tpu.memory_space<semaphore_mem>>)
      } else {
      }
      %dma_wait3A_172 = arith.constant 0 : i32
      %dma_wait3A_173 = arith.constant 2 : i32
      %dma_wait3A_174 = arith.constant 0 : i32
      %dma_wait3A_175 = arith.constant 0 : i32
      %dma_wait3A_176 = tpu.memref_slice %arg6[%dma_wait3A_173, %dma_wait3A_174, %dma_wait3A_175] : memref<5x128x128xf32, #tpu.memory_space<vmem>> -> memref<1x128x128xf32, #tpu.memory_space<vmem>>
      %dma_wait3A_177 = tpu.memref_squeeze %dma_wait3A_176 : memref<1x128x128xf32, #tpu.memory_space<vmem>> -> memref<128x128xf32, #tpu.memory_space<vmem>>
      %dma_wait3A_178 = arith.constant 0 : i32
      %dma_wait3A_179 = tpu.memref_slice %arg5[%dma_wait3A_172, %dma_wait3A_178] : memref<200x128xi32, #tpu.memory_space<vmem>> -> memref<1x128xi32, #tpu.memory_space<vmem>>
      %dma_wait3A_180 = tpu.memref_squeeze %dma_wait3A_179 : memref<1x128xi32, #tpu.memory_space<vmem>> -> memref<128xi32, #tpu.memory_space<vmem>>
      %dma_wait3A_181 = arith.constant 0 : i32
      %dma_wait3A_182 = arith.constant 0 : i32
      %dma_wait3A_183 = tpu.memref_slice %arg2[%dma_wait3A_181, %dma_wait3A_182] : memref<100000x128xf32, #tpu.memory_space<hbm>> -> memref<100000x128xf32, #tpu.memory_space<hbm>>
      tpu.wait_indirect_dma semaphore(%arg9 : memref<!tpu.dma_semaphore, #tpu.memory_space<semaphore_mem>>) src(%dma_wait3A_183 : memref<100000x128xf32, #tpu.memory_space<hbm>>) dst(%dma_wait3A_177 : memref<128x128xf32, #tpu.memory_space<vmem>>)
      %mul3A_184 = arith.constant 128 : i32
      %mul3A_185 = arith.muli %add3A_157, %mul3A_184 : i32
      %add3A_186 = arith.addi %mul3A_4, %mul3A_185 : i32
      %dma_start3A_187 = arith.constant 2 : i32
      %dma_start3A_188 = arith.constant 0 : i32
      %dma_start3A_189 = arith.constant 0 : i32
      %dma_start3A_190 = tpu.memref_slice %arg6[%dma_start3A_187, %dma_start3A_188, %dma_start3A_189] : memref<5x128x128xf32, #tpu.memory_space<vmem>> -> memref<1x128x128xf32, #tpu.memory_space<vmem>>
      %dma_start3A_191 = tpu.memref_squeeze %dma_start3A_190 : memref<1x128x128xf32, #tpu.memory_space<vmem>> -> memref<128x128xf32, #tpu.memory_space<vmem>>
      %dma_start3A_192 = arith.constant 0 : i32
      %dma_start3A_193 = tpu.memref_slice %arg4[%add3A_186, %dma_start3A_192] : memref<819200x128xf32, #tpu.memory_space<hbm>> -> memref<128x128xf32, #tpu.memory_space<hbm>>
      %dma_start3A_194 = arith.constant 0 : i32
      %dma_start3A_195 = tpu.memref_slice %arg4[%add3A_186, %dma_start3A_194] : memref<819200x128xf32, #tpu.memory_space<hbm>> -> memref<128x128xf32, #tpu.memory_space<hbm>>
      %dma_start3A_196 = arith.constant 0 : i32
      %dma_start3A_197 = arith.constant 0 : i32
      %dma_start3A_198 = tpu.memref_slice %arg6[%dma_start3A_187, %dma_start3A_196, %dma_start3A_197] : memref<5x128x128xf32, #tpu.memory_space<vmem>> -> memref<1x128x128xf32, #tpu.memory_space<vmem>>
      %dma_start3A_199 = tpu.memref_squeeze %dma_start3A_198 : memref<1x128x128xf32, #tpu.memory_space<vmem>> -> memref<128x128xf32, #tpu.memory_space<vmem>>
      tpu.enqueue_dma source(%dma_start3A_199 : memref<128x128xf32, #tpu.memory_space<vmem>>) target(%dma_start3A_195 : memref<128x128xf32, #tpu.memory_space<hbm>>) target_semaphore(%arg14 : memref<!tpu.dma_semaphore, #tpu.memory_space<semaphore_mem>>)
      %add3A_200 = arith.constant 3 : i32
      %add3A_201 = arith.addi %add3A_72, %add3A_200 : i32
      %ge3A_202 = arith.constant 1 : i32
      %ge3A_203 = arith.cmpi sge, %add3A_201, %ge3A_202 : i32
      %convert_element_type3A_204 = arith.extui %ge3A_203 : i1 to i32
      %cond3A_205 = arith.constant 0 : i32
      %cond3A_206 = arith.cmpi ne, %convert_element_type3A_204, %cond3A_205 : i32
      scf.if %cond3A_206 {
        %dma_wait3A_288 = arith.constant 2 : i32
        %dma_wait3A_289 = arith.constant 0 : i32
        %dma_wait3A_290 = arith.constant 0 : i32
        %dma_wait3A_291 = tpu.memref_slice %arg6[%dma_wait3A_288, %dma_wait3A_289, %dma_wait3A_290] : memref<5x128x128xf32, #tpu.memory_space<vmem>> -> memref<1x128x128xf32, #tpu.memory_space<vmem>>
        %dma_wait3A_292 = tpu.memref_squeeze %dma_wait3A_291 : memref<1x128x128xf32, #tpu.memory_space<vmem>> -> memref<128x128xf32, #tpu.memory_space<vmem>>
        %dma_wait3A_293 = arith.constant 0 : i32
        %dma_wait3A_294 = tpu.memref_slice %arg4[%mul3A_4, %dma_wait3A_293] : memref<819200x128xf32, #tpu.memory_space<hbm>> -> memref<128x128xf32, #tpu.memory_space<hbm>>
        %dma_wait3A_295 = arith.constant 0 : i32
        %dma_wait3A_296 = tpu.memref_slice %arg4[%mul3A_4, %dma_wait3A_295] : memref<819200x128xf32, #tpu.memory_space<hbm>> -> memref<128x128xf32, #tpu.memory_space<hbm>>
        %dma_wait3A_297 = arith.constant 0 : i32
        %dma_wait3A_298 = arith.constant 0 : i32
        %dma_wait3A_299 = tpu.memref_slice %arg6[%dma_wait3A_288, %dma_wait3A_297, %dma_wait3A_298] : memref<5x128x128xf32, #tpu.memory_space<vmem>> -> memref<1x128x128xf32, #tpu.memory_space<vmem>>
        %dma_wait3A_300 = tpu.memref_squeeze %dma_wait3A_299 : memref<1x128x128xf32, #tpu.memory_space<vmem>> -> memref<128x128xf32, #tpu.memory_space<vmem>>
        tpu.wait_dma2 semaphore(%arg14 : memref<!tpu.dma_semaphore, #tpu.memory_space<semaphore_mem>>) src(%dma_wait3A_300 : memref<128x128xf32, #tpu.memory_space<vmem>>) dst(%dma_wait3A_296 : memref<128x128xf32, #tpu.memory_space<hbm>>)
      } else {
      }
      %add3A_207 = arith.constant 5 : i32
      %add3A_208 = arith.addi %add3A_201, %add3A_207 : i32
      %sub3A_209 = arith.constant 1 : i32
      %sub3A_210 = arith.subi %add3A_208, %sub3A_209 : i32
      %lt3A_211 = arith.constant 200 : i32
      %lt3A_212 = arith.cmpi slt, %sub3A_210, %lt3A_211 : i32
      %convert_element_type3A_213 = arith.extui %lt3A_212 : i1 to i32
      %cond3A_214 = arith.constant 0 : i32
      %cond3A_215 = arith.cmpi ne, %convert_element_type3A_213, %cond3A_214 : i32
      scf.if %cond3A_215 {
        %add3A_288 = arith.constant 5 : i32
        %add3A_289 = arith.addi %add3A_201, %add3A_288 : i32
        %sub3A_290 = arith.constant 1 : i32
        %sub3A_291 = arith.subi %add3A_289, %sub3A_290 : i32
        %dma_start3A_292 = arith.constant 2 : i32
        %dma_start3A_293 = arith.constant 0 : i32
        %dma_start3A_294 = arith.constant 0 : i32
        %dma_start3A_295 = tpu.memref_slice %arg6[%dma_start3A_292, %dma_start3A_293, %dma_start3A_294] : memref<5x128x128xf32, #tpu.memory_space<vmem>> -> memref<1x128x128xf32, #tpu.memory_space<vmem>>
        %dma_start3A_296 = tpu.memref_squeeze %dma_start3A_295 : memref<1x128x128xf32, #tpu.memory_space<vmem>> -> memref<128x128xf32, #tpu.memory_space<vmem>>
        %dma_start3A_297 = arith.constant 0 : i32
        %dma_start3A_298 = tpu.memref_slice %arg5[%sub3A_291, %dma_start3A_297] : memref<200x128xi32, #tpu.memory_space<vmem>> -> memref<1x128xi32, #tpu.memory_space<vmem>>
        %dma_start3A_299 = tpu.memref_squeeze %dma_start3A_298 : memref<1x128xi32, #tpu.memory_space<vmem>> -> memref<128xi32, #tpu.memory_space<vmem>>
        %dma_start3A_300 = arith.constant 0 : i32
        %dma_start3A_301 = arith.constant 0 : i32
        %dma_start3A_302 = tpu.memref_slice %arg2[%dma_start3A_300, %dma_start3A_301] : memref<100000x128xf32, #tpu.memory_space<hbm>> -> memref<100000x128xf32, #tpu.memory_space<hbm>>
        tpu.enqueue_indirect_dma source(%dma_start3A_302 : memref<100000x128xf32, #tpu.memory_space<hbm>>) target(%dma_start3A_296 : memref<128x128xf32, #tpu.memory_space<vmem>>) offsets(%dma_start3A_299 : memref<128xi32, #tpu.memory_space<vmem>>) semaphore(%arg9 : memref<!tpu.dma_semaphore, #tpu.memory_space<semaphore_mem>>)
      } else {
      }
      %dma_wait3A_216 = arith.constant 0 : i32
      %dma_wait3A_217 = arith.constant 3 : i32
      %dma_wait3A_218 = arith.constant 0 : i32
      %dma_wait3A_219 = arith.constant 0 : i32
      %dma_wait3A_220 = tpu.memref_slice %arg6[%dma_wait3A_217, %dma_wait3A_218, %dma_wait3A_219] : memref<5x128x128xf32, #tpu.memory_space<vmem>> -> memref<1x128x128xf32, #tpu.memory_space<vmem>>
      %dma_wait3A_221 = tpu.memref_squeeze %dma_wait3A_220 : memref<1x128x128xf32, #tpu.memory_space<vmem>> -> memref<128x128xf32, #tpu.memory_space<vmem>>
      %dma_wait3A_222 = arith.constant 0 : i32
      %dma_wait3A_223 = tpu.memref_slice %arg5[%dma_wait3A_216, %dma_wait3A_222] : memref<200x128xi32, #tpu.memory_space<vmem>> -> memref<1x128xi32, #tpu.memory_space<vmem>>
      %dma_wait3A_224 = tpu.memref_squeeze %dma_wait3A_223 : memref<1x128xi32, #tpu.memory_space<vmem>> -> memref<128xi32, #tpu.memory_space<vmem>>
      %dma_wait3A_225 = arith.constant 0 : i32
      %dma_wait3A_226 = arith.constant 0 : i32
      %dma_wait3A_227 = tpu.memref_slice %arg2[%dma_wait3A_225, %dma_wait3A_226] : memref<100000x128xf32, #tpu.memory_space<hbm>> -> memref<100000x128xf32, #tpu.memory_space<hbm>>
      tpu.wait_indirect_dma semaphore(%arg10 : memref<!tpu.dma_semaphore, #tpu.memory_space<semaphore_mem>>) src(%dma_wait3A_227 : memref<100000x128xf32, #tpu.memory_space<hbm>>) dst(%dma_wait3A_221 : memref<128x128xf32, #tpu.memory_space<vmem>>)
      %mul3A_228 = arith.constant 128 : i32
      %mul3A_229 = arith.muli %add3A_201, %mul3A_228 : i32
      %add3A_230 = arith.addi %mul3A_4, %mul3A_229 : i32
      %dma_start3A_231 = arith.constant 3 : i32
      %dma_start3A_232 = arith.constant 0 : i32
      %dma_start3A_233 = arith.constant 0 : i32
      %dma_start3A_234 = tpu.memref_slice %arg6[%dma_start3A_231, %dma_start3A_232, %dma_start3A_233] : memref<5x128x128xf32, #tpu.memory_space<vmem>> -> memref<1x128x128xf32, #tpu.memory_space<vmem>>
      %dma_start3A_235 = tpu.memref_squeeze %dma_start3A_234 : memref<1x128x128xf32, #tpu.memory_space<vmem>> -> memref<128x128xf32, #tpu.memory_space<vmem>>
      %dma_start3A_236 = arith.constant 0 : i32
      %dma_start3A_237 = tpu.memref_slice %arg4[%add3A_230, %dma_start3A_236] : memref<819200x128xf32, #tpu.memory_space<hbm>> -> memref<128x128xf32, #tpu.memory_space<hbm>>
      %dma_start3A_238 = arith.constant 0 : i32
      %dma_start3A_239 = tpu.memref_slice %arg4[%add3A_230, %dma_start3A_238] : memref<819200x128xf32, #tpu.memory_space<hbm>> -> memref<128x128xf32, #tpu.memory_space<hbm>>
      %dma_start3A_240 = arith.constant 0 : i32
      %dma_start3A_241 = arith.constant 0 : i32
      %dma_start3A_242 = tpu.memref_slice %arg6[%dma_start3A_231, %dma_start3A_240, %dma_start3A_241] : memref<5x128x128xf32, #tpu.memory_space<vmem>> -> memref<1x128x128xf32, #tpu.memory_space<vmem>>
      %dma_start3A_243 = tpu.memref_squeeze %dma_start3A_242 : memref<1x128x128xf32, #tpu.memory_space<vmem>> -> memref<128x128xf32, #tpu.memory_space<vmem>>
      tpu.enqueue_dma source(%dma_start3A_243 : memref<128x128xf32, #tpu.memory_space<vmem>>) target(%dma_start3A_239 : memref<128x128xf32, #tpu.memory_space<hbm>>) target_semaphore(%arg15 : memref<!tpu.dma_semaphore, #tpu.memory_space<semaphore_mem>>)
      %add3A_244 = arith.constant 4 : i32
      %add3A_245 = arith.addi %add3A_72, %add3A_244 : i32
      %ge3A_246 = arith.constant 1 : i32
      %ge3A_247 = arith.cmpi sge, %add3A_245, %ge3A_246 : i32
      %convert_element_type3A_248 = arith.extui %ge3A_247 : i1 to i32
      %cond3A_249 = arith.constant 0 : i32
      %cond3A_250 = arith.cmpi ne, %convert_element_type3A_248, %cond3A_249 : i32
      scf.if %cond3A_250 {
        %dma_wait3A_288 = arith.constant 3 : i32
        %dma_wait3A_289 = arith.constant 0 : i32
        %dma_wait3A_290 = arith.constant 0 : i32
        %dma_wait3A_291 = tpu.memref_slice %arg6[%dma_wait3A_288, %dma_wait3A_289, %dma_wait3A_290] : memref<5x128x128xf32, #tpu.memory_space<vmem>> -> memref<1x128x128xf32, #tpu.memory_space<vmem>>
        %dma_wait3A_292 = tpu.memref_squeeze %dma_wait3A_291 : memref<1x128x128xf32, #tpu.memory_space<vmem>> -> memref<128x128xf32, #tpu.memory_space<vmem>>
        %dma_wait3A_293 = arith.constant 0 : i32
        %dma_wait3A_294 = tpu.memref_slice %arg4[%mul3A_4, %dma_wait3A_293] : memref<819200x128xf32, #tpu.memory_space<hbm>> -> memref<128x128xf32, #tpu.memory_space<hbm>>
        %dma_wait3A_295 = arith.constant 0 : i32
        %dma_wait3A_296 = tpu.memref_slice %arg4[%mul3A_4, %dma_wait3A_295] : memref<819200x128xf32, #tpu.memory_space<hbm>> -> memref<128x128xf32, #tpu.memory_space<hbm>>
        %dma_wait3A_297 = arith.constant 0 : i32
        %dma_wait3A_298 = arith.constant 0 : i32
        %dma_wait3A_299 = tpu.memref_slice %arg6[%dma_wait3A_288, %dma_wait3A_297, %dma_wait3A_298] : memref<5x128x128xf32, #tpu.memory_space<vmem>> -> memref<1x128x128xf32, #tpu.memory_space<vmem>>
        %dma_wait3A_300 = tpu.memref_squeeze %dma_wait3A_299 : memref<1x128x128xf32, #tpu.memory_space<vmem>> -> memref<128x128xf32, #tpu.memory_space<vmem>>
        tpu.wait_dma2 semaphore(%arg15 : memref<!tpu.dma_semaphore, #tpu.memory_space<semaphore_mem>>) src(%dma_wait3A_300 : memref<128x128xf32, #tpu.memory_space<vmem>>) dst(%dma_wait3A_296 : memref<128x128xf32, #tpu.memory_space<hbm>>)
      } else {
      }
      %add3A_251 = arith.constant 5 : i32
      %add3A_252 = arith.addi %add3A_245, %add3A_251 : i32
      %sub3A_253 = arith.constant 1 : i32
      %sub3A_254 = arith.subi %add3A_252, %sub3A_253 : i32
      %lt3A_255 = arith.constant 200 : i32
      %lt3A_256 = arith.cmpi slt, %sub3A_254, %lt3A_255 : i32
      %convert_element_type3A_257 = arith.extui %lt3A_256 : i1 to i32
      %cond3A_258 = arith.constant 0 : i32
      %cond3A_259 = arith.cmpi ne, %convert_element_type3A_257, %cond3A_258 : i32
      scf.if %cond3A_259 {
        %add3A_288 = arith.constant 5 : i32
        %add3A_289 = arith.addi %add3A_245, %add3A_288 : i32
        %sub3A_290 = arith.constant 1 : i32
        %sub3A_291 = arith.subi %add3A_289, %sub3A_290 : i32
        %dma_start3A_292 = arith.constant 3 : i32
        %dma_start3A_293 = arith.constant 0 : i32
        %dma_start3A_294 = arith.constant 0 : i32
        %dma_start3A_295 = tpu.memref_slice %arg6[%dma_start3A_292, %dma_start3A_293, %dma_start3A_294] : memref<5x128x128xf32, #tpu.memory_space<vmem>> -> memref<1x128x128xf32, #tpu.memory_space<vmem>>
        %dma_start3A_296 = tpu.memref_squeeze %dma_start3A_295 : memref<1x128x128xf32, #tpu.memory_space<vmem>> -> memref<128x128xf32, #tpu.memory_space<vmem>>
        %dma_start3A_297 = arith.constant 0 : i32
        %dma_start3A_298 = tpu.memref_slice %arg5[%sub3A_291, %dma_start3A_297] : memref<200x128xi32, #tpu.memory_space<vmem>> -> memref<1x128xi32, #tpu.memory_space<vmem>>
        %dma_start3A_299 = tpu.memref_squeeze %dma_start3A_298 : memref<1x128xi32, #tpu.memory_space<vmem>> -> memref<128xi32, #tpu.memory_space<vmem>>
        %dma_start3A_300 = arith.constant 0 : i32
        %dma_start3A_301 = arith.constant 0 : i32
        %dma_start3A_302 = tpu.memref_slice %arg2[%dma_start3A_300, %dma_start3A_301] : memref<100000x128xf32, #tpu.memory_space<hbm>> -> memref<100000x128xf32, #tpu.memory_space<hbm>>
        tpu.enqueue_indirect_dma source(%dma_start3A_302 : memref<100000x128xf32, #tpu.memory_space<hbm>>) target(%dma_start3A_296 : memref<128x128xf32, #tpu.memory_space<vmem>>) offsets(%dma_start3A_299 : memref<128xi32, #tpu.memory_space<vmem>>) semaphore(%arg10 : memref<!tpu.dma_semaphore, #tpu.memory_space<semaphore_mem>>)
      } else {
      }
      %dma_wait3A_260 = arith.constant 0 : i32
      %dma_wait3A_261 = arith.constant 4 : i32
      %dma_wait3A_262 = arith.constant 0 : i32
      %dma_wait3A_263 = arith.constant 0 : i32
      %dma_wait3A_264 = tpu.memref_slice %arg6[%dma_wait3A_261, %dma_wait3A_262, %dma_wait3A_263] : memref<5x128x128xf32, #tpu.memory_space<vmem>> -> memref<1x128x128xf32, #tpu.memory_space<vmem>>
      %dma_wait3A_265 = tpu.memref_squeeze %dma_wait3A_264 : memref<1x128x128xf32, #tpu.memory_space<vmem>> -> memref<128x128xf32, #tpu.memory_space<vmem>>
      %dma_wait3A_266 = arith.constant 0 : i32
      %dma_wait3A_267 = tpu.memref_slice %arg5[%dma_wait3A_260, %dma_wait3A_266] : memref<200x128xi32, #tpu.memory_space<vmem>> -> memref<1x128xi32, #tpu.memory_space<vmem>>
      %dma_wait3A_268 = tpu.memref_squeeze %dma_wait3A_267 : memref<1x128xi32, #tpu.memory_space<vmem>> -> memref<128xi32, #tpu.memory_space<vmem>>
      %dma_wait3A_269 = arith.constant 0 : i32
      %dma_wait3A_270 = arith.constant 0 : i32
      %dma_wait3A_271 = tpu.memref_slice %arg2[%dma_wait3A_269, %dma_wait3A_270] : memref<100000x128xf32, #tpu.memory_space<hbm>> -> memref<100000x128xf32, #tpu.memory_space<hbm>>
      tpu.wait_indirect_dma semaphore(%arg11 : memref<!tpu.dma_semaphore, #tpu.memory_space<semaphore_mem>>) src(%dma_wait3A_271 : memref<100000x128xf32, #tpu.memory_space<hbm>>) dst(%dma_wait3A_265 : memref<128x128xf32, #tpu.memory_space<vmem>>)
      %mul3A_272 = arith.constant 128 : i32
      %mul3A_273 = arith.muli %add3A_245, %mul3A_272 : i32
      %add3A_274 = arith.addi %mul3A_4, %mul3A_273 : i32
      %dma_start3A_275 = arith.constant 4 : i32
      %dma_start3A_276 = arith.constant 0 : i32
      %dma_start3A_277 = arith.constant 0 : i32
      %dma_start3A_278 = tpu.memref_slice %arg6[%dma_start3A_275, %dma_start3A_276, %dma_start3A_277] : memref<5x128x128xf32, #tpu.memory_space<vmem>> -> memref<1x128x128xf32, #tpu.memory_space<vmem>>
      %dma_start3A_279 = tpu.memref_squeeze %dma_start3A_278 : memref<1x128x128xf32, #tpu.memory_space<vmem>> -> memref<128x128xf32, #tpu.memory_space<vmem>>
      %dma_start3A_280 = arith.constant 0 : i32
      %dma_start3A_281 = tpu.memref_slice %arg4[%add3A_274, %dma_start3A_280] : memref<819200x128xf32, #tpu.memory_space<hbm>> -> memref<128x128xf32, #tpu.memory_space<hbm>>
      %dma_start3A_282 = arith.constant 0 : i32
      %dma_start3A_283 = tpu.memref_slice %arg4[%add3A_274, %dma_start3A_282] : memref<819200x128xf32, #tpu.memory_space<hbm>> -> memref<128x128xf32, #tpu.memory_space<hbm>>
      %dma_start3A_284 = arith.constant 0 : i32
      %dma_start3A_285 = arith.constant 0 : i32
      %dma_start3A_286 = tpu.memref_slice %arg6[%dma_start3A_275, %dma_start3A_284, %dma_start3A_285] : memref<5x128x128xf32, #tpu.memory_space<vmem>> -> memref<1x128x128xf32, #tpu.memory_space<vmem>>
      %dma_start3A_287 = tpu.memref_squeeze %dma_start3A_286 : memref<1x128x128xf32, #tpu.memory_space<vmem>> -> memref<128x128xf32, #tpu.memory_space<vmem>>
      tpu.enqueue_dma source(%dma_start3A_287 : memref<128x128xf32, #tpu.memory_space<vmem>>) target(%dma_start3A_283 : memref<128x128xf32, #tpu.memory_space<hbm>>) target_semaphore(%arg16 : memref<!tpu.dma_semaphore, #tpu.memory_space<semaphore_mem>>)
    }
    %scan3A_55 = arith.constant 40 : i32
    %dma_wait3A = arith.constant 4 : i32
    %dma_wait3A_56 = arith.constant 0 : i32
    %dma_wait3A_57 = arith.constant 0 : i32
    %dma_wait3A_58 = tpu.memref_slice %arg6[%dma_wait3A, %dma_wait3A_56, %dma_wait3A_57] : memref<5x128x128xf32, #tpu.memory_space<vmem>> -> memref<1x128x128xf32, #tpu.memory_space<vmem>>
    %dma_wait3A_59 = tpu.memref_squeeze %dma_wait3A_58 : memref<1x128x128xf32, #tpu.memory_space<vmem>> -> memref<128x128xf32, #tpu.memory_space<vmem>>
    %dma_wait3A_60 = arith.constant 0 : i32
    %dma_wait3A_61 = tpu.memref_slice %arg4[%mul3A_4, %dma_wait3A_60] : memref<819200x128xf32, #tpu.memory_space<hbm>> -> memref<128x128xf32, #tpu.memory_space<hbm>>
    %dma_wait3A_62 = arith.constant 0 : i32
    %dma_wait3A_63 = tpu.memref_slice %arg4[%mul3A_4, %dma_wait3A_62] : memref<819200x128xf32, #tpu.memory_space<hbm>> -> memref<128x128xf32, #tpu.memory_space<hbm>>
    %dma_wait3A_64 = arith.constant 0 : i32
    %dma_wait3A_65 = arith.constant 0 : i32
    %dma_wait3A_66 = tpu.memref_slice %arg6[%dma_wait3A, %dma_wait3A_64, %dma_wait3A_65] : memref<5x128x128xf32, #tpu.memory_space<vmem>> -> memref<1x128x128xf32, #tpu.memory_space<vmem>>
    %dma_wait3A_67 = tpu.memref_squeeze %dma_wait3A_66 : memref<1x128x128xf32, #tpu.memory_space<vmem>> -> memref<128x128xf32, #tpu.memory_space<vmem>>
    tpu.wait_dma2 semaphore(%arg16 : memref<!tpu.dma_semaphore, #tpu.memory_space<semaphore_mem>>) src(%dma_wait3A_67 : memref<128x128xf32, #tpu.memory_space<vmem>>) dst(%dma_wait3A_63 : memref<128x128xf32, #tpu.memory_space<hbm>>)
    return
  }
}

</mosaic_0001>

<sc_bundles>
// kernel: kernel.3.cloned.1.call-start
scs
__scs_entry_jumppad:
0x0: {  	(pc) =	sbr.rel $0x88, $3  }
0x1: {  	(tag) =	ssettag $0x0;
	lr =	simm.s32 $0x1  }
0x2: {  	[smem:$0x3F9F] =	sst lr;
	_ =	strace $0xD0000000  }
0x3: {  	_ = 	snop  }
0x4: {  	_ = 	snop  }
0x5: {  	_ = 	snop  }
0x6: {  	_ = 	snop  }
0x7: {  	_ = 	snop  }
__scs_overlays_trampoline_lowered:
0x8: {  	[smem:$0x3FAE] =	sst s0  }
0x9: {  	[smem:$0x3FAF] =	sst s1  }
0xa: {  	[smem:$0x3FB0] =	sst s2  }
0xb: {  	[smem:$0x3FB1] =	sst s3  }
0xc: {  	[smem:$0x3FB2] =	sst s4  }
0xd: {  	[smem:$0x3FB3] =	sst s5  }
0xe: {  	[smem:$0x3FB4] =	sst s6  }
0xf: {  	[smem:$0x3FB5] =	sst s7  }
0x10: {  	[smem:$0x3FB6] =	sst s8  }
0x11: {  	[smem:$0x3FB7] =	sst s9;
	s0 =	simm.s32 @!p0 $0x0  }
0x12: {  	s1 =	sld [smem:$0x3F9D];
	s0 =	simm.s32 @p0 $0x1  }
0x13: {  	[smem:$0x3FB8] =	sst s0;
	s0 =	simm.s32 @!p1 $0x0  }
0x14: {  	s2 =	sld [smem:$0x3F9C];
	s0 =	simm.s32 @p1 $0x1  }
0x15: {  	[smem:$0x3FB9] =	sst s0;
	s0 =	simm.s32 @!p2 $0x0  }
0x16: {  	s3 =	sld [smem:$0x3FDB];
	s0 =	simm.s32 @p2 $0x1  }
0x17: {  	s4 =	simm.s32 $0x1BF5;
	[smem:$0x3FBB] =	sst s0  }
0x18: {  	s0 =	sld [smem:$0x3F9E];
	_ =	swait.ge [sflag:s4], $0x0  }
0x19: {  	s7 =	sld [smem:$0x3F9F]  }
0x1a: {  	s8 =	sadd.s32 $0xFFFFE003, lr  }
0x1b: {  	s9 =	sadd.s32 $0xFFFFFEF7, lr;
	s5 =	simm.s32 $0xFFFFFFFF;
	p2 =	slt.u32 s8, $0xFFFFF086  }
0x1c: {  	p1 =	slt.u32 s9, $0xF7A;
	s5 =	simm.s32 @!p2 $0x0  }
0x1d: {  	s5 =	simm.s32 @p1 $0x1;
	p0 =	seq.s32 s7, s2  }
0x1e: {  	s7 =	smul.u32 @!p0 $0xF7A, s2;
	p2 =	seq.s32 @!p0 s5, $0x0  }
0x1f: {  	s9 =	smul.u32 $0xF7A, s1;
	s8 =	simm.s32 @!p0 $0x1BF5;
	p2 =	por !p2, p0  }
0x20: {  	[sflag:s8] =	ssyncset.s32 @!p0 $0xFFFFF086;
	s6 =	sadd.s32 @!p0 s3, s7;
	s7 =	simm.s32 @!p0 $0x108  }
0x21: {  	s3 =	sadd.s32 s3, s9;
	s6 =	sadd.s32 @!p0 $0x88, s6;
	s7 =	simm.s32 @p2 $0x1082  }
0x22: {  	[simem:s7], [sflag:s8] =	dma.local @!p0 [hbm:s6], $0xF7A  }
0x23: {  	s9 =	sor.u32 $0xD0000000, s2;
	s6 =	simm.s32 $0x108;
	_ =	swait.ge @!p0 [sflag:s8], $0x0  }
0x24: {  	s3 =	sadd.s32 $0x88, s3;
	s6 =	simm.s32 @!p1 $0x1082;
	[sflag:s4] =	ssyncset.s32 $0xFFFFF086  }
0x25: {  	[simem:s6], [sflag:s4] =	dma.local [hbm:s3], $0xF7A  }
0x26: {  	[smem:$0x3F9F] =	sst s1;
	(tag) =	ssettag s2;
	_ =	strace s9  }
0x27: {  	s1 =	sld [smem:$0x3FAF]  }
0x28: {  	s2 =	sld [smem:$0x3FB0]  }
0x29: {  	s4 =	sld [smem:$0x3FB2]  }
0x2a: {  	p0 =	seq.s32 s5, $0x0;
	s5 =	sld [smem:$0x3FB3]  }
0x2b: {  	s6 =	sld [smem:$0x3FB4]  }
0x2c: {  	s7 =	sld [smem:$0x3FB5]  }
0x2d: {  	s3 =	simm.s32 $0x108;
	s8 =	sld [smem:$0x3FB6]  }
0x2e: {  	s3 =	simm.s32 @!p0 $0x1082;
	s9 =	sld [smem:$0x3FB7]  }
0x2f: {  	lr =	sadd.s32 s0, s3;
	s0 =	sld [smem:$0x3FAE]  }
0x30: {  	s3 =	sld [smem:$0x3FB1]  }
0x31: {  	[smem:$0x3FBA] =	sst s10  }
0x32: {  	s10 =	sld [smem:$0x3FB8];
	_ =	sdelay $0x3  }
0x33: {  	p0 =	seq.s32 s10, $0x1;
	s10 =	sld [smem:$0x3FBA];
	_ =	sdelay $0x3  }
0x34: {  	[smem:$0x3FBA] =	sst s10  }
0x35: {  	s10 =	sld [smem:$0x3FB9];
	_ =	sdelay $0x3  }
0x36: {  	p1 =	seq.s32 s10, $0x1;
	s10 =	sld [smem:$0x3FBA];
	_ =	sdelay $0x3  }
0x37: {  	[smem:$0x3FBA] =	sst s10  }
0x38: {  	s10 =	sld [smem:$0x3FBB]  }
0x39: {  	_ = 	snop;
	(pc) =	sbr.ind lr, $3  }
0x3a: {  	_ = 	snop  }
0x3b: {  	_ = 	snop  }
0x3c: {  	p2 =	seq.s32 s10, $0x1;
	s10 =	sld [smem:$0x3FBA]  }
0x3d: {  	_ =	shalt  }
0x3e: {  	_ =	shalt  }
0x3f: {  	_ =	shalt  }
0x40: {  	_ =	shalt  }
0x41: {  	_ =	shalt  }
0x42: {  	_ =	shalt  }
0x43: {  	_ =	shalt  }
0x44: {  	_ =	shalt  }
0x45: {  	_ =	shalt  }
0x46: {  	_ =	shalt  }
0x47: {  	_ =	shalt  }
0x48: {  	_ =	shalt  }
0x49: {  	_ =	shalt  }
0x4a: {  	_ =	shalt  }
0x4b: {  	_ =	shalt  }
0x4c: {  	_ =	shalt  }
0x4d: {  	_ =	shalt  }
0x4e: {  	_ =	shalt  }
0x4f: {  	_ =	shalt  }
0x50: {  	_ =	shalt  }
0x51: {  	_ =	shalt  }
0x52: {  	_ =	shalt  }
0x53: {  	_ =	shalt  }
0x54: {  	_ =	shalt  }
0x55: {  	_ =	shalt  }
0x56: {  	_ =	shalt  }
0x57: {  	_ =	shalt  }
0x58: {  	_ =	shalt  }
0x59: {  	_ =	shalt  }
0x5a: {  	_ =	shalt  }
0x5b: {  	_ =	shalt  }
0x5c: {  	_ =	shalt  }
0x5d: {  	_ =	shalt  }
0x5e: {  	_ =	shalt  }
0x5f: {  	_ =	shalt  }
0x60: {  	_ =	shalt  }
0x61: {  	_ =	shalt  }
0x62: {  	_ =	shalt  }
0x63: {  	_ =	shalt  }
0x64: {  	_ =	shalt  }
0x65: {  	_ =	shalt  }
0x66: {  	_ =	shalt  }
0x67: {  	_ =	shalt  }
0x68: {  	_ =	shalt  }
0x69: {  	_ =	shalt  }
0x6a: {  	_ =	shalt  }
0x6b: {  	_ =	shalt  }
0x6c: {  	_ =	shalt  }
0x6d: {  	_ =	shalt  }
0x6e: {  	_ =	shalt  }
0x6f: {  	_ =	shalt  }
0x70: {  	_ =	shalt  }
0x71: {  	_ =	shalt  }
0x72: {  	_ =	shalt  }
0x73: {  	_ =	shalt  }
0x74: {  	_ =	shalt  }
0x75: {  	_ =	shalt  }
0x76: {  	_ =	shalt  }
0x77: {  	_ =	shalt  }
0x78: {  	_ =	shalt  }
0x79: {  	_ =	shalt  }
0x7a: {  	_ =	shalt  }
0x7b: {  	_ =	shalt  }
0x7c: {  	_ =	shalt  }
0x7d: {  	_ =	shalt  }
0x7e: {  	_ =	shalt  }
0x7f: {  	_ =	shalt  }
0x80: {  	_ =	shalt  }
0x81: {  	_ =	shalt  }
0x82: {  	_ =	shalt  }
0x83: {  	_ =	shalt  }
0x84: {  	_ =	shalt  }
0x85: {  	_ =	shalt  }
0x86: {  	_ =	shalt  }
0x87: {  	_ =	shalt  }
.Lfunc_end0:
.L_simem_size_0:
called_computation_lowered:
.L_overlay_start_0:
0x88: {  	s2 =	sld [smem:$0x3FD9]  }
0x89: {  	s3 =	sld [smem:$0x3FFE];
	_ =	sdelay $0x1  }
0x8a: {  	s1 =	srdreg.scid  }
0x8b: {  	s0 =	sand.u32 $0x1, s1  }
0x8c: {  	s17 =	sshll.u32 s0, $0xA;
	s2 =	sadd.s32 s3, s2  }
0x8d: {  	s2 =	sadd.s32 s2, s17  }
0x8e: {  	[smem:$0x3FC6] =	sst s2  }
0x8f: {  	_ = 	snop  }
0x90: {  	s2 =	sld [smem:$0x3FC8]  }
0x91: {  	s18 =	sld [smem:$0x3FD0];
	(tm) =	ssettm $0x1  }
0x92: {  	s4 =	sld [smem:$0x3FFB];
	_ =	sdelay $0x3  }
0x93: {  	_ =	strace s4  }
0x94: {  	s4 =	sld [smem:$0x3FFC];
	_ =	sdelay $0x3  }
0x95: {  	_ =	strace s4  }
0x96: {  	s4 =	sld [smem:$0x3FFD];
	_ =	sdelay $0x3  }
0x97: {  	_ =	strace s4  }
0x98: {  	_ =	strace $0x8FFFFFFF  }
0x99: {  	s19 =	sld [smem:$0x3FDB];
	_ =	sdelay $0x1  }
0x9a: {  	s5 =	simm.s32 $_scs_section_size  }
0x9b: {  	s6 =	simm.s32 $_size__tile_overlayer_lowered;
	s7 =	simm.s32 $_tile_overlayer_lowered  }
0x9c: {  	s22 =	simm.s32 $0x1BFF;
	s21 =	sshll.u32 s7, $0x1;
	s4 =	sadd.s32 s5, s19  }
0x9d: {  	s8 =	simm.s32 $0x0;
	s20 =	sshll.u32 s6, $0x1;
	s6 =	sadd.s32 s21, s4  }
0x9e: {  	[timem:s8], [sflag:s22] =	dma.local [hbm:s6], s20  }
0x9f: {  	_ =	swait.ge [sflag:s22], s20  }
0xa0: {  	s5 =	ssub.s32 $0x0, s20;
	[sflag:s22] =	ssyncset.done $0x0  }
0xa1: {  	[sflag:s22] =	ssyncadd.s32 s5;
	_ =	sdelay $0x1  }
0xa2: {  	s23 =	simm.s32 $0x1B8B  }
0xa3: {  	_ =	swait.ge [sflag:s23], $0x1  }
0xa4: {  	[sflag:s23] =	ssyncset.done $0x0  }
0xa5: {  	s25 =	simm.s32 $0x1B8E;
	s24 =	sld [smem:$0x3FFE];
	[sflag:s23] =	ssyncadd.s32 $0xFFFFFFFF  }
0xa6: {  	s26 =	simm.s32 $execute0_lowered;
	[smem:$0x3FD2] =	sst s25  }
0xa7: {  	s6 =	sshll.u32 s26, $0x1;
	_ =	strace $0x80000046;
	[dreg:$0x1] =	wrdreg $0xFFFFFFFF  }
0xa8: {  	s28 =	simm.s32 $_size_execute0_lowered;
	s4 =	sadd.s32 s4, s6;
	[dreg:$0x0] =	wrdreg $0x0  }
0xa9: {  	s6 =	sshll.u32 s28, $0x1;
	[dreg:$0x2] =	wrdreg s4  }
0xaa: {  	[dreg:$0x3] =	wrdreg s6  }
0xab: {  	[dreg:$0x4] =	wrdreg $0xC0  }
0xac: {  	_ =	task [dreg:s8], $0x5FFFF  }
0xad: {  	[dreg:$0x1] =	wrdreg $0xFFFFFFFF  }
0xae: {  	[dreg:$0x0] =	wrdreg $0x60  }
0xaf: {  	[dreg:$0x2] =	wrdreg s2  }
0xb0: {  	[dreg:$0x3] =	wrdreg s24  }
0xb1: {  	[dreg:$0x4] =	wrdreg s18  }
0xb2: {  	[dreg:$0x5] =	wrdreg $0x9  }
0xb3: {  	_ =	task.clear_ibuf [dreg:s8], $0x6FFFF;
	_ =	strace $0x90000046  }
0xb4: {  	s29 =	simm.s32 $0x9;
	_ =	strace $0x80000048  }
0xb5: {  	_ =	swait.ge [sflag:s29], $0x1  }
0xb6: {  	[sflag:s29] =	ssyncadd.s32 $0xFFFFFFFF  }
0xb7: {  	_ =	strace $0x90000048  }
0xb8: {  	_ =	sfence  }
0xb9: {  	s30 =	sld [smem:$0x0];
	_ =	sdelay $0x2  }
0xba: {  	s31 =	sshll.u32 s1, $0xD;
	s1 =	sshrl.u32 s1, $0x2  }
0xbb: {  	s3 =	sand.u32 $0x4000, s31;
	s1 =	sadd.s32 s1, s30  }
0xbc: {  	s0 =	sor.u32 s3, s0;
	s1 =	sshll.u32 s1, $0x11  }
0xbd: {  	s0 =	sor.u32 s1, s0  }
0xbe: {  	s0 =	sadd.s32 $0x8F2B, s0  }
0xbf: {  	[sflag:s0] =	ssyncadd.remote.s32 $0x1  }
0xc0: {  	_ =	sfence.sel $0xFFFF  }
0xc1: {  	[dreg:$0x0] =	wrdreg $0xFFFFFFFF;
	(pc) =	sbr.abs _section_cstart, $3  }
0xc2: {  	[dreg:$0x1] =	wrdreg $0xFFFFFFFF  }
0xc3: {  	_ =	task.clear_ibuf [dreg:s8], $0x2FFFF;
	_ =	strace $0x9FFFFFFF  }
0xc4: {  	(tm) =	ssettm $0x7FFFFFFF  }
0xc5: {  	_ =	shalt  }
tec
execute0_lowered:
.L_overlay_start_1:
0x0: {  	(tag) =	ssettag $0x1  }
0x1: {  	s1 =	rddreg [dreg:$0x0]  }
0x2: {  	s0 =	srdreg.scid;
	s4 =	rddreg [dreg:$0x1]  }
0x3: {  	s9 =	stileid.u32;
	s7 =	rddreg [dreg:$0x2]  }
0x4: {  	s3 =	simm.s32 $0x0;
	s11 =	simm.s32 $0x80;
	s12 =	simm.s32 $0x6400  }
0x5: {  	s13 =	simm.s32 $0xA400;
	s15 =	simm.s32 $0xE400;
	s17 =	simm.s32 $0x12400  }
0x6: {  	s18 =	simm.s32 $0x16400;
	s19 =	simm.s32 $0x1;
	s20 =	simm.s32 $0x6  }
0x7: {  	s21 =	simm.s32 $0x2;
	s22 =	simm.s32 $0x7;
	s5 =	smul.u32 $0xC8000, s9  }
0x8: {  	s0 =	sand.u32 $0x1, s0;
	s2 =	sshll.u32 s9, $0x1;
	s9 =	smul.u32 $0x640000, s9  }
0x9: {  	s23 =	simm.s32 $0x3;
	s28 =	simm.s32 $0x5;
	s6 =	smul.u32 $0x64000, s0  }
0xa: {  	s2 =	sor.u32 s0, s2;
	s8 =	ssub.s32 $0x2, s0;
	s0 =	smul.u32 $0x320000, s0  }
0xb: {  	s30 =	simm.s32 $0x0;
	[smem:$0x7FF] =	sst s3;
	s2 =	smul.u32 $0xC80, s2  }
0xc: {  	_ =	strace $0x80000047;
	s24 =	sshrl.u32 s8, $0x1;
	s25 =	sadd.s32 s5, s7  }
0xd: {  	s0 =	sadd.s32 s0, s9;
	s2 =	sadd.s32 s2, s4;
	s4 =	ssub.s32 s8, s24  }
0xe: {  	s26 =	sor.u32 $0x10000, s0;
	s29 =	sor.u32 $0xC000, s0;
	s2 =	sadd.s32 $0x400, s2  }
0xf: {  	s0 =	sor.u32 $0x8000, s0;
	s4 =	smax.u32 s4, $0x1;
	[dreg:$0x4] =	wrdreg s2  }
0x10: {  	s0 =	sshrl.u32 s0, $0x3;
	[dreg:$0x5] =	wrdreg s4;
	s2 =	sadd.s32 s6, s25  }
0x11: {  	s4 =	sshrl.u32 s29, $0x3;
	s0 =	sadd.s32 s0, s7;
	s6 =	sadd.s32 $0x800, s2  }
0x12: {  	s2 =	sshrl.u32 s26, $0x3;
	s31 =	sadd.s32 s4, s7;
	[dreg:$0x8] =	wrdreg s0  }
0x13: {  	s24 =	simm.s32 $0x8;
	s2 =	sadd.s32 s2, s7;
	[dreg:$0x7] =	wrdreg s31  }
0x14: {  	s25 =	simm.s32 $0x4;
	s26 =	simm.s32 $0x9;
	[dreg:$0x6] =	wrdreg s2  }
.LBB2_1:
0x15: {  	s0 =	rddreg [dreg:$0x4];
	s9 =	simm.s32 $0xB  }
0x16: {  	[tilespmem:s3], [sflag:$0xB] =	stream.linear.gather [hbm4b:s0+s3], $0x6400, $0x38;
	[tilespmem:$0x1A400] =	vst v63  }
0x17: {  	_ =	swait.ge [sflag:s9], $0x6400  }
0x18: {  	[sflag:s9] =	ssyncset.done $0x0  }
0x19: {  	[sflag:s9] =	ssyncadd.s32 $0xFFFF9C00  }
0x1a: {  	[tilespmem:s12], [sflag:$0x1] =	stream.indirect.gather [hbm4b:s1+s11], $0x80, s3, s11, $0xb8;
	[tilespmem:$0x1A400] =	vst v63  }
0x1b: {  	_ = 	snop  }
0x1c: {  	[tilespmem:s13], [sflag:$0x2] =	stream.indirect.gather [hbm4b:s1+s11], $0x80, s11, s11, $0xb8;
	[tilespmem:$0x1A400] =	vst v63  }
0x1d: {  	s10 =	simm.s32 $0x100;
	p0 =	por $0x1, $0x1  }
0x1e: {  	[tilespmem:s15], [sflag:$0x3] =	stream.indirect.gather [hbm4b:s1+s11], $0x80, s10, s11, $0xb8;
	[tilespmem:$0x1A400] =	vst v63  }
0x1f: {  	s14 =	simm.s32 $0x180;
	s0 =	simm.s32 @!p0 $0xA  }
0x20: {  	[tilespmem:s17], [sflag:$0x4] =	stream.indirect.gather [hbm4b:s1+s11], $0x80, s14, s11, $0xb8;
	[tilespmem:$0x1A400] =	vst v63  }
0x21: {  	_ =	swait.ge @!p0 [sflag:s0], $0x4000  }
0x22: {  	[sflag:s0] =	ssyncset.done @!p0 $0x0  }
0x23: {  	s16 =	simm.s32 $0x200;
	[sflag:s0] =	ssyncadd.s32 @!p0 $0xFFFFC000  }
0x24: {  	[tilespmem:s18], [sflag:$0x5] =	stream.indirect.gather [hbm4b:s1+s11], $0x80, s16, s11, $0xb8;
	[tilespmem:$0x1A400] =	vst v63  }
0x25: {  	_ =	swait.ge [sflag:s19], $0x4000  }
0x26: {  	[sflag:s19] =	ssyncset.done $0x0  }
0x27: {  	s29 =	sadd.s32 $0xFFFFF800, s6;
	[sflag:s19] =	ssyncadd.s32 $0xFFFFC000  }
0x28: {  	[hbm4b:s29+s3] =	stream.linear.scatter [tilespmem:s12], [sflag:$0x6], $0x4000, $0x38;
	[tilespmem:$0x1A400] =	vst v63  }
0x29: {  	p0 =	por $0x0, $0x0;
	_ =	swait.ge [sflag:s20], $0x4000  }
0x2a: {  	s0 =	simm.s32 @!p0 $0x6400;
	[sflag:s20] =	ssyncset.done $0x0  }
0x2b: {  	s2 =	simm.s32 @!p0 $0x280;
	s7 =	simm.s32 @!p0 $0x80;
	[sflag:s20] =	ssyncadd.s32 $0xFFFFC000  }
0x2c: {  	[tilespmem:s0], [sflag:$0x1] =	stream.indirect.gather @!p0 [hbm4b:s1+s7], $0x80, s2, s7, $0xb8;
	[tilespmem:$0x1A400] =	vst v63  }
0x2d: {  	_ =	swait.ge [sflag:s21], $0x4000  }
0x2e: {  	[sflag:s21] =	ssyncset.done $0x0  }
0x2f: {  	[sflag:s21] =	ssyncadd.s32 $0xFFFFC000  }
0x30: {  	[hbm4b:s6+s3] =	stream.linear.scatter [tilespmem:s13], [sflag:$0x7], $0x4000, $0x38;
	[tilespmem:$0x1A400] =	vst v63  }
0x31: {  	_ =	swait.ge [sflag:s22], $0x4000  }
0x32: {  	[sflag:s22] =	ssyncset.done $0x0  }
0x33: {  	s0 =	simm.s32 @!p0 $0x300;
	s2 =	simm.s32 @!p0 $0xA400;
	[sflag:s22] =	ssyncadd.s32 $0xFFFFC000  }
0x34: {  	[tilespmem:s2], [sflag:$0x2] =	stream.indirect.gather @!p0 [hbm4b:s1+s7], $0x80, s0, s7, $0xb8;
	[tilespmem:$0x1A400] =	vst v63  }
0x35: {  	_ =	swait.ge [sflag:s23], $0x4000  }
0x36: {  	[sflag:s23] =	ssyncset.done $0x0  }
0x37: {  	s8 =	rddreg [dreg:$0x8];
	[sflag:s23] =	ssyncadd.s32 $0xFFFFC000  }
0x38: {  	[hbm4b:s8+s3] =	stream.linear.scatter [tilespmem:s15], [sflag:$0x8], $0x4000, $0x38;
	[tilespmem:$0x1A400] =	vst v63  }
0x39: {  	_ =	swait.ge [sflag:s24], $0x4000  }
0x3a: {  	[sflag:s24] =	ssyncset.done $0x0  }
0x3b: {  	s0 =	simm.s32 @!p0 $0x380;
	s2 =	simm.s32 @!p0 $0xE400;
	[sflag:s24] =	ssyncadd.s32 $0xFFFFC000  }
0x3c: {  	[tilespmem:s2], [sflag:$0x3] =	stream.indirect.gather @!p0 [hbm4b:s1+s7], $0x80, s0, s7, $0xb8;
	[tilespmem:$0x1A400] =	vst v63  }
0x3d: {  	_ =	swait.ge [sflag:s25], $0x4000  }
0x3e: {  	[sflag:s25] =	ssyncset.done $0x0  }
0x3f: {  	s5 =	rddreg [dreg:$0x7];
	[sflag:s25] =	ssyncadd.s32 $0xFFFFC000  }
0x40: {  	[hbm4b:s5+s3] =	stream.linear.scatter [tilespmem:s17], [sflag:$0x9], $0x4000, $0x38;
	[tilespmem:$0x1A400] =	vst v63  }
0x41: {  	_ =	swait.ge [sflag:s26], $0x4000  }
0x42: {  	s4 =	simm.s32 $0x1400;
	[sflag:s26] =	ssyncset.done $0x0  }
0x43: {  	s14 =	simm.s32 @!p0 $0x12400;
	s2 =	simm.s32 @!p0 $0x400;
	[sflag:s26] =	ssyncadd.s32 $0xFFFFC000  }
0x44: {  	[tilespmem:s14], [sflag:$0x4] =	stream.indirect.gather @!p0 [hbm4b:s1+s7], $0x80, s2, s7, $0xb8;
	[tilespmem:$0x1A400] =	vst v63  }
0x45: {  	p1 =	por $0x0, $0x0;
	s16 =	simm.s32 $0xA00;
	_ =	swait.ge [sflag:s28], $0x4000  }
0x46: {  	s0 =	sadd.s32 $0x2800, s8;
	s2 =	sadd.s32 $0x2800, s5;
	s7 =	rddreg [dreg:$0x6]  }
0x47: {  	s14 =	sadd.s32 $0x2800, s6;
	[sflag:s28] =	ssyncset.done $0x0;
	s31 =	sadd.s32 $0x2800, s7  }
.LBB2_2:
0x48: {  	s10 =	simm.s32 @!p1 $0xA  }
0x49: {  	[sflag:s28] =	ssyncadd.s32 $0xFFFFC000;
	s29 =	smov.u32 s4;
	s4 =	sadd.s32 $0xA00, s4  }
0x4a: {  	[hbm4b:s7+s3] =	stream.linear.scatter [tilespmem:s18], [sflag:$0xA], $0x4000, $0x38;
	[tilespmem:$0x1A400] =	vst v63  }
0x4b: {  	p0 =	sne.s32 s4, $0x19000;
	s7 =	smov.u32 s31;
	_ =	swait.ge @!p1 [sflag:s10], $0x4000  }
0x4c: {  	s8 =	sshra.s32 s16, $0x2;
	[sflag:s10] =	ssyncset.done @!p1 $0x0  }
0x4d: {  	s8 =	sadd.s32 $0x200, s8;
	[sflag:s10] =	ssyncadd.s32 @!p1 $0xFFFFC000  }
0x4e: {  	[tilespmem:s18], [sflag:$0x5] =	stream.indirect.gather [hbm4b:s1+s11], $0x80, s8, s11, $0xb8;
	[tilespmem:$0x1A400] =	vst v63  }
0x4f: {  	_ =	swait.ge [sflag:s19], $0x4000  }
0x50: {  	[sflag:s19] =	ssyncset.done $0x0  }
0x51: {  	s8 =	sadd.s32 $0xFFFFF800, s14;
	[sflag:s19] =	ssyncadd.s32 $0xFFFFC000  }
0x52: {  	[hbm4b:s8+s3] =	stream.linear.scatter [tilespmem:s12], [sflag:$0x6], $0x4000, $0x38;
	[tilespmem:$0x1A400] =	vst v63  }
0x53: {  	p1 =	seq.s32 s16, $0x18600;
	_ =	swait.ge [sflag:s20], $0x4000  }
0x54: {  	s10 =	simm.s32 @!p1 $0x6400;
	s8 =	sshra.s32 @!p1 s16, $0x2;
	[sflag:s20] =	ssyncset.done $0x0  }
0x55: {  	s5 =	simm.s32 @!p1 $0x80;
	s16 =	sadd.s32 @!p1 $0x280, s8;
	[sflag:s20] =	ssyncadd.s32 $0xFFFFC000  }
0x56: {  	[tilespmem:s10], [sflag:$0x1] =	stream.indirect.gather @!p1 [hbm4b:s1+s5], $0x80, s16, s5, $0xb8;
	[tilespmem:$0x1A400] =	vst v63  }
0x57: {  	s9 =	sadd.s32 @!p1 $0x380, s8;
	s10 =	sadd.s32 @!p1 $0x300, s8;
	_ =	swait.ge [sflag:s21], $0x4000  }
0x58: {  	s8 =	sadd.s32 @!p1 $0x400, s8;
	s16 =	smov.u32 s29;
	[sflag:s21] =	ssyncset.done $0x0  }
0x59: {  	[sflag:s21] =	ssyncadd.s32 $0xFFFFC000  }
0x5a: {  	[hbm4b:s14+s3] =	stream.linear.scatter [tilespmem:s13], [sflag:$0x7], $0x4000, $0x38;
	[tilespmem:$0x1A400] =	vst v63  }
0x5b: {  	_ =	swait.ge [sflag:s22], $0x4000  }
0x5c: {  	[sflag:s22] =	ssyncset.done $0x0  }
0x5d: {  	s29 =	simm.s32 @!p1 $0xA400;
	[sflag:s22] =	ssyncadd.s32 $0xFFFFC000  }
0x5e: {  	[tilespmem:s29], [sflag:$0x2] =	stream.indirect.gather @!p1 [hbm4b:s1+s5], $0x80, s10, s5, $0xb8;
	[tilespmem:$0x1A400] =	vst v63  }
0x5f: {  	_ =	swait.ge [sflag:s23], $0x4000  }
0x60: {  	[sflag:s23] =	ssyncset.done $0x0  }
0x61: {  	[sflag:s23] =	ssyncadd.s32 $0xFFFFC000  }
0x62: {  	[hbm4b:s0+s3] =	stream.linear.scatter [tilespmem:s15], [sflag:$0x8], $0x4000, $0x38;
	[tilespmem:$0x1A400] =	vst v63  }
0x63: {  	_ =	swait.ge [sflag:s24], $0x4000  }
0x64: {  	[sflag:s24] =	ssyncset.done $0x0  }
0x65: {  	s10 =	simm.s32 @!p1 $0xE400;
	[sflag:s24] =	ssyncadd.s32 $0xFFFFC000  }
0x66: {  	[tilespmem:s10], [sflag:$0x3] =	stream.indirect.gather @!p1 [hbm4b:s1+s5], $0x80, s9, s5, $0xb8;
	[tilespmem:$0x1A400] =	vst v63  }
0x67: {  	_ =	swait.ge [sflag:s25], $0x4000  }
0x68: {  	[sflag:s25] =	ssyncset.done $0x0  }
0x69: {  	[sflag:s25] =	ssyncadd.s32 $0xFFFFC000  }
0x6a: {  	[hbm4b:s2+s3] =	stream.linear.scatter [tilespmem:s17], [sflag:$0x9], $0x4000, $0x38;
	[tilespmem:$0x1A400] =	vst v63  }
0x6b: {  	_ =	swait.ge [sflag:s26], $0x4000  }
.Ltmp0:
0x6c: {  	[sflag:s26] =	ssyncset.done $0x0;
	(pc) =	sbr.rel @p0 .LBB2_2-.Ltmp0, $4  }
0x6d: {  	s0 =	sadd.s32 $0x2800, s0;
	s9 =	simm.s32 @!p1 $0x12400;
	[sflag:s26] =	ssyncadd.s32 $0xFFFFC000  }
0x6e: {  	[tilespmem:s9], [sflag:$0x4] =	stream.indirect.gather @!p1 [hbm4b:s1+s5], $0x80, s8, s5, $0xb8;
	[tilespmem:$0x1A400] =	vst v63  }
0x6f: {  	s31 =	sadd.s32 $0x2800, s31;
	s2 =	sadd.s32 $0x2800, s2;
	_ =	swait.ge [sflag:s28], $0x4000  }
0x70: {  	s14 =	sadd.s32 $0x2800, s14;
	p1 =	seq.s32 s16, $0x0;
	[sflag:s28] =	ssyncset.done $0x0  }
0x71: {  	s4 =	simm.s32 @!p1 $0xA;
	[sflag:s28] =	ssyncadd.s32 $0xFFFFC000  }
0x72: {  	[hbm4b:s7+s3] =	stream.linear.scatter [tilespmem:s18], [sflag:$0xA], $0x4000, $0x38;
	[tilespmem:$0x1A400] =	vst v63  }
0x73: {  	_ =	swait.ge @!p1 [sflag:s4], $0x4000  }
0x74: {  	s5 =	sshra.s32 s16, $0x2;
	[sflag:s4] =	ssyncset.done @!p1 $0x0  }
0x75: {  	s9 =	sadd.s32 $0x200, s5;
	[sflag:s4] =	ssyncadd.s32 @!p1 $0xFFFFC000  }
0x76: {  	[tilespmem:s18], [sflag:$0x5] =	stream.indirect.gather [hbm4b:s1+s11], $0x80, s9, s11, $0xb8;
	[tilespmem:$0x1A400] =	vst v63  }
0x77: {  	_ =	swait.ge [sflag:s19], $0x4000  }
0x78: {  	[sflag:s19] =	ssyncset.done $0x0  }
0x79: {  	s10 =	sadd.s32 $0xFFFFF800, s14;
	[sflag:s19] =	ssyncadd.s32 $0xFFFFC000  }
0x7a: {  	[hbm4b:s10+s3] =	stream.linear.scatter [tilespmem:s12], [sflag:$0x6], $0x4000, $0x38;
	[tilespmem:$0x1A400] =	vst v63  }
0x7b: {  	p0 =	seq.s32 s16, $0x18600;
	_ =	swait.ge [sflag:s20], $0x4000  }
0x7c: {  	s5 =	simm.s32 @!p0 $0x6400;
	s4 =	sshra.s32 @!p0 s16, $0x2;
	[sflag:s20] =	ssyncset.done $0x0  }
0x7d: {  	s8 =	simm.s32 @!p0 $0x80;
	s7 =	sadd.s32 @!p0 $0x280, s4;
	[sflag:s20] =	ssyncadd.s32 $0xFFFFC000  }
0x7e: {  	[tilespmem:s5], [sflag:$0x1] =	stream.indirect.gather @!p0 [hbm4b:s1+s8], $0x80, s7, s8, $0xb8;
	[tilespmem:$0x1A400] =	vst v63  }
0x7f: {  	_ =	swait.ge [sflag:s21], $0x4000  }
0x80: {  	[sflag:s21] =	ssyncset.done $0x0  }
0x81: {  	[sflag:s21] =	ssyncadd.s32 $0xFFFFC000  }
0x82: {  	[hbm4b:s14+s3] =	stream.linear.scatter [tilespmem:s13], [sflag:$0x7], $0x4000, $0x38;
	[tilespmem:$0x1A400] =	vst v63  }
0x83: {  	_ =	swait.ge [sflag:s22], $0x4000  }
0x84: {  	[sflag:s22] =	ssyncset.done $0x0  }
0x85: {  	s5 =	sadd.s32 @!p0 $0x300, s4;
	s7 =	simm.s32 @!p0 $0xA400;
	[sflag:s22] =	ssyncadd.s32 $0xFFFFC000  }
0x86: {  	[tilespmem:s7], [sflag:$0x2] =	stream.indirect.gather @!p0 [hbm4b:s1+s8], $0x80, s5, s8, $0xb8;
	[tilespmem:$0x1A400] =	vst v63  }
0x87: {  	_ =	swait.ge [sflag:s23], $0x4000  }
0x88: {  	[sflag:s23] =	ssyncset.done $0x0  }
0x89: {  	[sflag:s23] =	ssyncadd.s32 $0xFFFFC000  }
0x8a: {  	[hbm4b:s0+s3] =	stream.linear.scatter [tilespmem:s15], [sflag:$0x8], $0x4000, $0x38;
	[tilespmem:$0x1A400] =	vst v63  }
0x8b: {  	_ =	swait.ge [sflag:s24], $0x4000  }
0x8c: {  	[sflag:s24] =	ssyncset.done $0x0  }
0x8d: {  	s5 =	simm.s32 @!p0 $0xE400;
	s0 =	sadd.s32 @!p0 $0x380, s4;
	[sflag:s24] =	ssyncadd.s32 $0xFFFFC000  }
0x8e: {  	[tilespmem:s5], [sflag:$0x3] =	stream.indirect.gather @!p0 [hbm4b:s1+s8], $0x80, s0, s8, $0xb8;
	[tilespmem:$0x1A400] =	vst v63  }
0x8f: {  	_ =	swait.ge [sflag:s25], $0x4000  }
0x90: {  	[sflag:s25] =	ssyncset.done $0x0  }
0x91: {  	[sflag:s25] =	ssyncadd.s32 $0xFFFFC000  }
0x92: {  	[hbm4b:s2+s3] =	stream.linear.scatter [tilespmem:s17], [sflag:$0x9], $0x4000, $0x38;
	[tilespmem:$0x1A400] =	vst v63  }
0x93: {  	_ =	swait.ge [sflag:s26], $0x4000  }
0x94: {  	[sflag:s26] =	ssyncset.done $0x0  }
0x95: {  	s0 =	sadd.s32 @!p0 $0x400, s4;
	s2 =	simm.s32 @!p0 $0x12400;
	[sflag:s26] =	ssyncadd.s32 $0xFFFFC000  }
0x96: {  	[tilespmem:s2], [sflag:$0x4] =	stream.indirect.gather @!p0 [hbm4b:s1+s8], $0x80, s0, s8, $0xb8;
	[tilespmem:$0x1A400] =	vst v63  }
0x97: {  	_ =	swait.ge [sflag:s28], $0x4000  }
0x98: {  	[sflag:s28] =	ssyncset.done $0x0  }
0x99: {  	s29 =	simm.s32 $0xA;
	[sflag:s28] =	ssyncadd.s32 $0xFFFFC000  }
0x9a: {  	[hbm4b:s31+s3] =	stream.linear.scatter [tilespmem:s18], [sflag:$0xA], $0x4000, $0x38;
	[tilespmem:$0x1A400] =	vst v63  }
0x9b: {  	_ =	swait.ge [sflag:s29], $0x4000  }
0x9c: {  	s30 =	sadd.s32 $0x1, s30;
	s31 =	rddreg [dreg:$0x5]  }
0x9d: {  	p0 =	sne.s32 s30, s31  }
.Ltmp1:
0x9e: {  	_ = 	snop;
	(pc) =	sbr.rel @p0 .LBB2_1-.Ltmp1, $3  }
0x9f: {  	_ =	sdelay $0x1  }
0xa0: {  	[sflag:s29] =	ssyncset.done $0x0  }
0xa1: {  	[sflag:s29] =	ssyncadd.s32 $0xFFFFC000  }
0xa2: {  	_ =	sfence.sel $0x180000  }
0xa3: {  	[bflag:$0x0] =	sbarrier.arrive $0xFFFF  }
0xa4: {  	_ =	strace $0x90000047  }
0xa5: {  	s0 =	stileid.u32;
	[bflag:$0x2] =	sbarrier.arrive $0xFFFF  }
0xa6: {  	p0 =	sne.s32 s0, $0x0;
	s0 =	rddreg [dreg:$0x3]  }
0xa7: {  	s0 =	sadd.s32 @!p0 $0x100000, s0  }
0xa8: {  	[sflag:s0] =	ssyncadd.tile.s32 @!p0 $0x1;
	_ =	shalt  }
.Lfunc_end2:
_tile_overlayer_lowered:
.L_overlay_start_2:
0xa9: {  	(tag) =	ssettag $0x2  }
0xaa: {  	s0 =	rddreg [dreg:$0x0];
	s2 =	stileid.u32  }
0xab: {  	s1 =	rddreg [dreg:$0x1];
	p0 =	sne.s32 s2, $0x0  }
0xac: {  	s3 =	rddreg [dreg:$0x2];
	[bflag:$0x3] =	sbarrier.arrive $0xFFFF;
	s2 =	simm.s32 @!p0 $0x1C0B  }
0xad: {  	[timem:s3], [sflag:s2] =	dma.local @!p0 [hbm:s0], s1  }
0xae: {  	s0 =	simm.s32 @!p0 $0xB  }
0xaf: {  	_ =	swait.ge @!p0 [sflag:s0], s1  }
0xb0: {  	s1 =	ssub.s32 @!p0 $0x0, s1;
	[sflag:s0] =	ssyncset.done @!p0 $0x0  }
0xb1: {  	[sflag:s0] =	ssyncadd.s32 @!p0 s1  }
0xb2: {  	[bflag:$0x3] =	sbarrier.arrive $0xFFFF  }
0xb3: {  	_ =	shalt  }

</sc_bundles>
